<compile_context>
chip_gen: v7x
topology: tpu7x:2x2x1
jax: 0.10.2.dev20260603
libtpu: 0.0.44.dev20260713+nightly
codegen_flags: <defaults>
</compile_context>

<pallas_src>
import jax
import jax.numpy as jnp
from jax import lax
from jax.experimental import pallas as pl
from jax.experimental.pallas import tpu as pltpu
from jax.experimental.pallas import tpu_sc as plsc

NC = 2
NS = 16
NW = NC * NS
L = 16
TILE = 128


def _sc_partials(h_t, pos_t, batch_idx, n, d, b):
    n_sc = n - n % TILE
    chunk = (n_sc + NW - 1) // NW
    chunk = (chunk + TILE - 1) // TILE * TILE
    rest = n_sc - (NW - 1) * chunk
    assert rest > 0 and rest % TILE == 0 and (4 * b) % NS == 0
    groups_full = chunk // L
    groups_rest = rest // L
    half_a = (chunk // 2 + TILE - 1) // TILE * TILE
    half_b = chunk - half_a
    assert half_b > 0 and (rest // 2) % TILE == 0
    stripe = TILE
    nstripes = 4 * b // stripe
    assert nstripes <= NS

    mesh = plsc.VectorSubcoreMesh(
        core_axis_name="c", subcore_axis_name="s", num_cores=NC, num_subcores=NS
    )

    @pl.kernel(
        out_type=jax.ShapeDtypeStruct((NC, 4 * b), jnp.float32),
        mesh=mesh,
        scratch_types=[
            pltpu.VMEM((8, chunk), jnp.float32),
            pltpu.VMEM((3, chunk), jnp.float32),
            pltpu.VMEM((chunk,), jnp.int32),
            pltpu.VMEM((4 * b,), jnp.float32),
            pltpu.VMEM((NS, stripe), jnp.float32),
            pltpu.VMEM((stripe,), jnp.float32),
            pltpu.VMEM_SHARED((NS, 4 * b), jnp.float32),
            pltpu.SemaphoreType.DMA,
            pltpu.SemaphoreType.DMA,
        ],
        compiler_params=pltpu.CompilerParams(
            needs_layout_passes=False,
            skip_device_barrier=True,
            disable_bounds_checks=True,
            disable_semaphore_checks=True,
        ),
    )
    def sc_kernel(h_hbm, pos_hbm, idx_hbm, out_hbm,
                  h_v, pos_v, idx_v, acc_v, red_v, str_v, sp, semA, semB):
        c = lax.axis_index("c")
        s = lax.axis_index("s")
        wid = c * NS + s
        base = wid * chunk
        is_last = wid == NW - 1

        szA = jnp.where(is_last, rest // 2, half_a)
        szA = pl.multiple_of(szA, TILE)
        szB = jnp.where(is_last, rest // 2, half_b)
        szB = pl.multiple_of(szB, TILE)
        dA = [
            pltpu.make_async_copy(
                h_hbm.at[pl.ds(0, 8), pl.ds(base, szA)],
                h_v.at[:, pl.ds(0, szA)], semA),
            pltpu.make_async_copy(
                pos_hbm.at[:, pl.ds(base, szA)],
                pos_v.at[:, pl.ds(0, szA)], semA),
            pltpu.make_async_copy(
                idx_hbm.at[pl.ds(base, szA)], idx_v.at[pl.ds(0, szA)], semA),
        ]
        for d in dA:
            d.start()
        baseB = base + szA
        baseB = pl.multiple_of(baseB, TILE)
        dB = [
            pltpu.make_async_copy(
                h_hbm.at[pl.ds(0, 8), pl.ds(baseB, szB)],
                h_v.at[:, pl.ds(szA, szB)], semB),
            pltpu.make_async_copy(
                pos_hbm.at[:, pl.ds(baseB, szB)],
                pos_v.at[:, pl.ds(szA, szB)], semB),
            pltpu.make_async_copy(
                idx_hbm.at[pl.ds(baseB, szB)],
                idx_v.at[pl.ds(szA, szB)], semB),
        ]
        for d in dB:
            d.start()

        gA = jnp.where(is_last, (rest // 2) // L, half_a // L)
        groups = jnp.where(is_last, groups_rest, groups_full)

        zeros = jnp.zeros((L,), jnp.float32)
        for i in range(4 * b // L):
            acc_v[pl.ds(i * L, L)] = zeros

        ones = jnp.ones((L,), jnp.float32)

        def body(g, carry):
            o = g * L
            bidx = idx_v[pl.ds(o, L)]
            c0 = h_v[3, pl.ds(o, L)]
            c1 = h_v[4, pl.ds(o, L)]
            c2 = h_v[5, pl.ds(o, L)]
            c3 = h_v[6, pl.ds(o, L)]
            cond = (c1 > c0) & (c1 >= c2) & (c1 >= c3)
            px = pos_v[0, pl.ds(o, L)]
            py = pos_v[1, pl.ds(o, L)]
            pz = pos_v[2, pl.ds(o, L)]
            plsc.addupdate_scatter(acc_v, [bidx], ones, mask=cond)
            plsc.addupdate_scatter(acc_v, [bidx + b], px, mask=cond)
            plsc.addupdate_scatter(acc_v, [bidx + 2 * b], py, mask=cond)
            plsc.addupdate_scatter(acc_v, [bidx + 3 * b], pz, mask=cond)
            return carry

        for d in dA:
            d.wait()
        lax.fori_loop(0, gA, body, 0)
        for d in dB:
            d.wait()
        lax.fori_loop(gA, groups, body, 0)

        pltpu.sync_copy(acc_v, sp.at[s])
        plsc.subcore_barrier()

        @pl.when(s < nstripes)
        def _():
            col0 = s * stripe
            pltpu.sync_copy(sp.at[:, pl.ds(col0, stripe)], red_v)
            for k in range(stripe // L):
                t = red_v[0, pl.ds(k * L, L)]
                for i in range(1, NS):
                    t = t + red_v[i, pl.ds(k * L, L)]
                str_v[pl.ds(k * L, L)] = t
            pltpu.sync_copy(str_v, out_hbm.at[c, pl.ds(col0, stripe)])

    return sc_kernel(h_t, pos_t, batch_idx)


def _tc_combine(partials, h_t, pos_t, idx_tail, n, d, b, tail):
    blk = (n - tail) // TILE

    def body(p_ref, ht_ref, pt3_ref, it_ref, pt_ref, pd_ref):
        s = jnp.sum(p_ref[...], axis=0, keepdims=True)

        ht = ht_ref[...]
        c0 = ht[3:4, :]
        c1 = ht[4:5, :]
        c2 = ht[5:6, :]
        c3 = ht[6:7, :]
        w = ((c1 > c0) & (c1 >= c2) & (c1 >= c3)).astype(jnp.float32)
        pos3 = pt3_ref[...]
        vals = jnp.concatenate([w, pos3 * w], axis=0)
        valsk = jax.lax.slice(vals, (0, 0), (4, tail))
        seg = jax.lax.broadcasted_iota(jnp.int32, (b, tail), 0)
        oh = (seg == it_ref[...][None, :]).astype(jnp.float32)
        corr = jax.lax.dot_general(
            valsk, oh, (((1,), (1,)), ((), ())),
            precision=jax.lax.Precision.HIGHEST,
            preferred_element_type=jnp.float32,
        )

        cnt = s[:, 0:b] + corr[0:1]
        sx = s[:, b:2 * b] + corr[1:2]
        sy = s[:, 2 * b:3 * b] + corr[2:3]
        sz = s[:, 3 * b:4 * b] + corr[3:4]
        c = jnp.maximum(cnt, 1.0)
        mx, my, mz = sx / c, sy / c, sz / c
        pt = jnp.sqrt(mx * mx + my * my + mz * mz)
        pt_ref[...] = pt
        pd_ref[...] = jnp.concatenate([mx / pt, my / pt, mz / pt], axis=0)

    return pl.pallas_call(
        body,
        grid=(1,),
        in_specs=[
            pl.BlockSpec(partials.shape, lambda i: (0, 0)),
            pl.BlockSpec((d, TILE), lambda i: (0, blk)),
            pl.BlockSpec((3, TILE), lambda i: (0, blk)),
            pl.BlockSpec((tail,), lambda i: (0,)),
        ],
        out_specs=[
            pl.BlockSpec((1, b), lambda i: (0, 0)),
            pl.BlockSpec((3, b), lambda i: (0, 0)),
        ],
        out_shape=[
            jax.ShapeDtypeStruct((1, b), jnp.float32),
            jax.ShapeDtypeStruct((3, b), jnp.float32),
        ],
    )(partials, h_t, pos_t, idx_tail)


def kernel(x_global_features, h, pos_pxpypz_at_vertex, batch_idx):
    n, d = h.shape
    b = x_global_features.shape[0]
    tail = n % TILE
    h_t = h.T
    pos_t = pos_pxpypz_at_vertex.T
    idx_tail = lax.slice(batch_idx, (n - tail,), (n,))
    partials = _sc_partials(h_t, pos_t, batch_idx, n, d, b)
    pt, pd = _tc_combine(partials, h_t, pos_t, idx_tail, n, d, b, tail)
    return pt.reshape(b), pd.T

# --- scband reference (transcript-rebuilt; emitter-appended) ---
"""Pipeline reference for scband-pick-pat-dca-47382079209592 (READ-ONLY COPY).

The authoritative reference and input builder live on the scoring server;
editing this copy changes nothing except your own understanding.
"""

import jax, jax.numpy as jnp
import numpy as np

N = 100000
B = 256
D = 13

def setup_inputs(seed: int = 0) -> dict:
    key = jax.random.key(seed)
    k1, k2, k3, k4 = jax.random.split(key, 4)
    x_global_features = jax.random.normal(k1, (B, D), dtype=jnp.float32)
    h = jax.random.normal(k2, (N, D), dtype=jnp.float32)
    pos_pxpypz_at_vertex = jax.random.normal(k3, (N, 3), dtype=jnp.float32)
    batch_idx = jnp.sort(jax.random.randint(k4, (N,), 0, B, dtype=jnp.int32))
    return {
        "x_global_features": x_global_features,
        "h": h,
        "pos_pxpypz_at_vertex": pos_pxpypz_at_vertex,
        "batch_idx": batch_idx,
    }


def reference(x_global_features, h, pos_pxpypz_at_vertex, batch_idx):
    # ht = argmax of one-hot hit-type columns 3:7; keep only type==1 (tracks)
    ht = jnp.argmax(h[:, 3:7], axis=1)
    filt = (ht == 1)
    w = filt.astype(pos_pxpypz_at_vertex.dtype)
    # scatter_mean(pos[filt], batch_idx[filt]) == masked segment mean
    sums = jax.ops.segment_sum(pos_pxpypz_at_vertex * w[:, None], batch_idx, num_segments=B)
    cnt = jax.ops.segment_sum(w, batch_idx, num_segments=B)
    p_direction_mean = sums / jnp.maximum(cnt, 1.0)[:, None]
    p_tracks = jnp.linalg.norm(p_direction_mean, axis=1)
    p_direction = p_direction_mean / p_tracks[:, None]
    return (p_tracks, p_direction)

if __name__ == "__main__":
    import jax
    _d = setup_inputs()
    print(jax.jit(kernel)(*tuple(_d.values())))

</pallas_src>

<mosaic_0001>
#map = affine_map<(d0, d1) -> (0, 0)>
#map1 = affine_map<(d0, d1) -> (0)>
module attributes {stable_mosaic.version = 14 : i64} {
  func.func @sc_kernel(%arg0: i32, %arg1: i32, %arg2: memref<13x100000xf32, #tpu.memory_space<hbm>>, %arg3: memref<3x100000xf32, #tpu.memory_space<hbm>>, %arg4: memref<100000xi32, #tpu.memory_space<hbm>>, %arg5: memref<2x1024xf32, #tpu.memory_space<hbm>>, %arg6: memref<8x3200xf32, #tpu.memory_space<vmem>>, %arg7: memref<3x3200xf32, #tpu.memory_space<vmem>>, %arg8: memref<3200xi32, #tpu.memory_space<vmem>>, %arg9: memref<1024xf32, #tpu.memory_space<vmem>>, %arg10: memref<16x128xf32, #tpu.memory_space<vmem>>, %arg11: memref<128xf32, #tpu.memory_space<vmem>>, %arg12: memref<16x1024xf32, #tpu.memory_space<vmem_shared>>, %arg13: memref<!tpu.dma_semaphore, #tpu.memory_space<semaphore_mem>>, %arg14: memref<!tpu.dma_semaphore, #tpu.memory_space<semaphore_mem>>) attributes {dimension_semantics = [#tpu.dimension_semantics<core_parallel>, #tpu.dimension_semantics<subcore_parallel>], iteration_bounds = array<i64: 2, 16>, scalar_prefetch = 0 : i64, scratch_operands = 9 : i64, tpu.core_type = #tpu.core_type<sc_vector_subcore>, window_params = [{transform_indices = #map}, {transform_indices = #map}, {transform_indices = #map1}, {transform_indices = #map}]} {
    %mul3A = arith.constant 16 : i32
    %mul3A_0 = arith.muli %arg0, %mul3A : i32
    %add3A = arith.addi %mul3A_0, %arg1 : i32
    %mul3A_1 = arith.constant 3200 : i32
    %mul3A_2 = arith.muli %add3A, %mul3A_1 : i32
    %eq3A = arith.constant 31 : i32
    %eq3A_3 = arith.cmpi eq, %add3A, %eq3A : i32
    %jit3A = arith.constant 384 : i32
    %jit3A_4 = arith.constant 1664 : i32
    %select_n3A = arith.select %eq3A_3, %jit3A, %jit3A_4 : i32
    %multiple_of3A = tpu.assume_multiple %select_n3A, 128 : i32
    %jit3A_5 = arith.constant 384 : i32
    %jit3A_6 = arith.constant 1536 : i32
    %select_n3A_7 = arith.select %eq3A_3, %jit3A_5, %jit3A_6 : i32
    %multiple_of3A_8 = tpu.assume_multiple %select_n3A_7, 128 : i32
    %dma_start3A = arith.constant 0 : i32
    %dma_start3A_9 = arith.constant 0 : i32
    %dma_start3A_10 = tpu.memref_slice %arg6[%dma_start3A, %dma_start3A_9] <%multiple_of3A> : memref<8x3200xf32, #tpu.memory_space<vmem>> -> memref<8x?xf32, #tpu.memory_space<vmem>>
    %dma_start3A_11 = arith.constant 0 : i32
    %dma_start3A_12 = tpu.memref_slice %arg2[%dma_start3A_11, %mul3A_2] <%multiple_of3A> : memref<13x100000xf32, #tpu.memory_space<hbm>> -> memref<8x?xf32, #tpu.memory_space<hbm>>
    %dma_start3A_13 = arith.constant 0 : i32
    %dma_start3A_14 = arith.constant 0 : i32
    %dma_start3A_15 = tpu.memref_slice %arg6[%dma_start3A_13, %dma_start3A_14] <%multiple_of3A> : memref<8x3200xf32, #tpu.memory_space<vmem>> -> memref<8x?xf32, #tpu.memory_space<vmem>>
    %dma_start3A_16 = arith.constant 0 : i32
    %dma_start3A_17 = tpu.memref_slice %arg2[%dma_start3A_16, %mul3A_2] <%multiple_of3A> : memref<13x100000xf32, #tpu.memory_space<hbm>> -> memref<8x?xf32, #tpu.memory_space<hbm>>
    tpu.enqueue_dma source(%dma_start3A_17 : memref<8x?xf32, #tpu.memory_space<hbm>>) target(%dma_start3A_15 : memref<8x?xf32, #tpu.memory_space<vmem>>) target_semaphore(%arg13 : memref<!tpu.dma_semaphore, #tpu.memory_space<semaphore_mem>>)
    %dma_start3A_18 = arith.constant 0 : i32
    %dma_start3A_19 = arith.constant 0 : i32
    %dma_start3A_20 = tpu.memref_slice %arg7[%dma_start3A_18, %dma_start3A_19] <%multiple_of3A> : memref<3x3200xf32, #tpu.memory_space<vmem>> -> memref<3x?xf32, #tpu.memory_space<vmem>>
    %dma_start3A_21 = arith.constant 0 : i32
    %dma_start3A_22 = tpu.memref_slice %arg3[%dma_start3A_21, %mul3A_2] <%multiple_of3A> : memref<3x100000xf32, #tpu.memory_space<hbm>> -> memref<3x?xf32, #tpu.memory_space<hbm>>
    %dma_start3A_23 = arith.constant 0 : i32
    %dma_start3A_24 = arith.constant 0 : i32
    %dma_start3A_25 = tpu.memref_slice %arg7[%dma_start3A_23, %dma_start3A_24] <%multiple_of3A> : memref<3x3200xf32, #tpu.memory_space<vmem>> -> memref<3x?xf32, #tpu.memory_space<vmem>>
    %dma_start3A_26 = arith.constant 0 : i32
    %dma_start3A_27 = tpu.memref_slice %arg3[%dma_start3A_26, %mul3A_2] <%multiple_of3A> : memref<3x100000xf32, #tpu.memory_space<hbm>> -> memref<3x?xf32, #tpu.memory_space<hbm>>
    tpu.enqueue_dma source(%dma_start3A_27 : memref<3x?xf32, #tpu.memory_space<hbm>>) target(%dma_start3A_25 : memref<3x?xf32, #tpu.memory_space<vmem>>) target_semaphore(%arg13 : memref<!tpu.dma_semaphore, #tpu.memory_space<semaphore_mem>>)
    %dma_start3A_28 = arith.constant 0 : i32
    %dma_start3A_29 = tpu.memref_slice %arg8[%dma_start3A_28] <%multiple_of3A> : memref<3200xi32, #tpu.memory_space<vmem>> -> memref<?xi32, #tpu.memory_space<vmem>>
    %dma_start3A_30 = tpu.memref_slice %arg4[%mul3A_2] <%multiple_of3A> : memref<100000xi32, #tpu.memory_space<hbm>> -> memref<?xi32, #tpu.memory_space<hbm>>
    %dma_start3A_31 = arith.constant 0 : i32
    %dma_start3A_32 = tpu.memref_slice %arg8[%dma_start3A_31] <%multiple_of3A> : memref<3200xi32, #tpu.memory_space<vmem>> -> memref<?xi32, #tpu.memory_space<vmem>>
    %dma_start3A_33 = tpu.memref_slice %arg4[%mul3A_2] <%multiple_of3A> : memref<100000xi32, #tpu.memory_space<hbm>> -> memref<?xi32, #tpu.memory_space<hbm>>
    tpu.enqueue_dma source(%dma_start3A_33 : memref<?xi32, #tpu.memory_space<hbm>>) target(%dma_start3A_32 : memref<?xi32, #tpu.memory_space<vmem>>) target_semaphore(%arg13 : memref<!tpu.dma_semaphore, #tpu.memory_space<semaphore_mem>>)
    %add3A_34 = arith.addi %mul3A_2, %multiple_of3A : i32
    %multiple_of3A_35 = tpu.assume_multiple %add3A_34, 128 : i32
    %dma_start3A_36 = arith.constant 0 : i32
    %dma_start3A_37 = tpu.memref_slice %arg6[%dma_start3A_36, %multiple_of3A] <%multiple_of3A_8> : memref<8x3200xf32, #tpu.memory_space<vmem>> -> memref<8x?xf32, #tpu.memory_space<vmem>>
    %dma_start3A_38 = arith.constant 0 : i32
    %dma_start3A_39 = tpu.memref_slice %arg2[%dma_start3A_38, %multiple_of3A_35] <%multiple_of3A_8> : memref<13x100000xf32, #tpu.memory_space<hbm>> -> memref<8x?xf32, #tpu.memory_space<hbm>>
    %dma_start3A_40 = arith.constant 0 : i32
    %dma_start3A_41 = tpu.memref_slice %arg6[%dma_start3A_40, %multiple_of3A] <%multiple_of3A_8> : memref<8x3200xf32, #tpu.memory_space<vmem>> -> memref<8x?xf32, #tpu.memory_space<vmem>>
    %dma_start3A_42 = arith.constant 0 : i32
    %dma_start3A_43 = tpu.memref_slice %arg2[%dma_start3A_42, %multiple_of3A_35] <%multiple_of3A_8> : memref<13x100000xf32, #tpu.memory_space<hbm>> -> memref<8x?xf32, #tpu.memory_space<hbm>>
    tpu.enqueue_dma source(%dma_start3A_43 : memref<8x?xf32, #tpu.memory_space<hbm>>) target(%dma_start3A_41 : memref<8x?xf32, #tpu.memory_space<vmem>>) target_semaphore(%arg14 : memref<!tpu.dma_semaphore, #tpu.memory_space<semaphore_mem>>)
    %dma_start3A_44 = arith.constant 0 : i32
    %dma_start3A_45 = tpu.memref_slice %arg7[%dma_start3A_44, %multiple_of3A] <%multiple_of3A_8> : memref<3x3200xf32, #tpu.memory_space<vmem>> -> memref<3x?xf32, #tpu.memory_space<vmem>>
    %dma_start3A_46 = arith.constant 0 : i32
    %dma_start3A_47 = tpu.memref_slice %arg3[%dma_start3A_46, %multiple_of3A_35] <%multiple_of3A_8> : memref<3x100000xf32, #tpu.memory_space<hbm>> -> memref<3x?xf32, #tpu.memory_space<hbm>>
    %dma_start3A_48 = arith.constant 0 : i32
    %dma_start3A_49 = tpu.memref_slice %arg7[%dma_start3A_48, %multiple_of3A] <%multiple_of3A_8> : memref<3x3200xf32, #tpu.memory_space<vmem>> -> memref<3x?xf32, #tpu.memory_space<vmem>>
    %dma_start3A_50 = arith.constant 0 : i32
    %dma_start3A_51 = tpu.memref_slice %arg3[%dma_start3A_50, %multiple_of3A_35] <%multiple_of3A_8> : memref<3x100000xf32, #tpu.memory_space<hbm>> -> memref<3x?xf32, #tpu.memory_space<hbm>>
    tpu.enqueue_dma source(%dma_start3A_51 : memref<3x?xf32, #tpu.memory_space<hbm>>) target(%dma_start3A_49 : memref<3x?xf32, #tpu.memory_space<vmem>>) target_semaphore(%arg14 : memref<!tpu.dma_semaphore, #tpu.memory_space<semaphore_mem>>)
    %dma_start3A_52 = tpu.memref_slice %arg8[%multiple_of3A] <%multiple_of3A_8> : memref<3200xi32, #tpu.memory_space<vmem>> -> memref<?xi32, #tpu.memory_space<vmem>>
    %dma_start3A_53 = tpu.memref_slice %arg4[%multiple_of3A_35] <%multiple_of3A_8> : memref<100000xi32, #tpu.memory_space<hbm>> -> memref<?xi32, #tpu.memory_space<hbm>>
    %dma_start3A_54 = tpu.memref_slice %arg8[%multiple_of3A] <%multiple_of3A_8> : memref<3200xi32, #tpu.memory_space<vmem>> -> memref<?xi32, #tpu.memory_space<vmem>>
    %dma_start3A_55 = tpu.memref_slice %arg4[%multiple_of3A_35] <%multiple_of3A_8> : memref<100000xi32, #tpu.memory_space<hbm>> -> memref<?xi32, #tpu.memory_space<hbm>>
    tpu.enqueue_dma source(%dma_start3A_55 : memref<?xi32, #tpu.memory_space<hbm>>) target(%dma_start3A_54 : memref<?xi32, #tpu.memory_space<vmem>>) target_semaphore(%arg14 : memref<!tpu.dma_semaphore, #tpu.memory_space<semaphore_mem>>)
    %jit3A_56 = arith.constant 24 : i32
    %jit3A_57 = arith.constant 104 : i32
    %select_n3A_58 = arith.select %eq3A_3, %jit3A_56, %jit3A_57 : i32
    %jit3A_59 = arith.constant 48 : i32
    %jit3A_60 = arith.constant 200 : i32
    %select_n3A_61 = arith.select %eq3A_3, %jit3A_59, %jit3A_60 : i32
    %broadcast_in_dim3A = arith.constant 0.000000e+00 : f32
    %broadcast_in_dim3A_62 = vector.broadcast %broadcast_in_dim3A : f32 to vector<16xf32>
    %swap3A = arith.constant 0 : index
    %swap3A_63 = tpu.vector_load %arg9[%swap3A] {strides = array<i32>} : memref<1024xf32, #tpu.memory_space<vmem>>, vector<16xf32>,
    tpu.vector_store %arg9[%swap3A], %broadcast_in_dim3A_62 {strides = array<i32>} : memref<1024xf32, #tpu.memory_space<vmem>>, vector<16xf32>,
    %swap3A_64 = arith.constant 16 : index
    %swap3A_65 = tpu.vector_load %arg9[%swap3A_64] {strides = array<i32>} : memref<1024xf32, #tpu.memory_space<vmem>>, vector<16xf32>,
    tpu.vector_store %arg9[%swap3A_64], %broadcast_in_dim3A_62 {strides = array<i32>} : memref<1024xf32, #tpu.memory_space<vmem>>, vector<16xf32>,
    %swap3A_66 = arith.constant 32 : index
    %swap3A_67 = tpu.vector_load %arg9[%swap3A_66] {strides = array<i32>} : memref<1024xf32, #tpu.memory_space<vmem>>, vector<16xf32>,
    tpu.vector_store %arg9[%swap3A_66], %broadcast_in_dim3A_62 {strides = array<i32>} : memref<1024xf32, #tpu.memory_space<vmem>>, vector<16xf32>,
    %swap3A_68 = arith.constant 48 : index
    %swap3A_69 = tpu.vector_load %arg9[%swap3A_68] {strides = array<i32>} : memref<1024xf32, #tpu.memory_space<vmem>>, vector<16xf32>,
    tpu.vector_store %arg9[%swap3A_68], %broadcast_in_dim3A_62 {strides = array<i32>} : memref<1024xf32, #tpu.memory_space<vmem>>, vector<16xf32>,
    %swap3A_70 = arith.constant 64 : index
    %swap3A_71 = tpu.vector_load %arg9[%swap3A_70] {strides = array<i32>} : memref<1024xf32, #tpu.memory_space<vmem>>, vector<16xf32>,
    tpu.vector_store %arg9[%swap3A_70], %broadcast_in_dim3A_62 {strides = array<i32>} : memref<1024xf32, #tpu.memory_space<vmem>>, vector<16xf32>,
    %swap3A_72 = arith.constant 80 : index
    %swap3A_73 = tpu.vector_load %arg9[%swap3A_72] {strides = array<i32>} : memref<1024xf32, #tpu.memory_space<vmem>>, vector<16xf32>,
    tpu.vector_store %arg9[%swap3A_72], %broadcast_in_dim3A_62 {strides = array<i32>} : memref<1024xf32, #tpu.memory_space<vmem>>, vector<16xf32>,
    %swap3A_74 = arith.constant 96 : index
    %swap3A_75 = tpu.vector_load %arg9[%swap3A_74] {strides = array<i32>} : memref<1024xf32, #tpu.memory_space<vmem>>, vector<16xf32>,
    tpu.vector_store %arg9[%swap3A_74], %broadcast_in_dim3A_62 {strides = array<i32>} : memref<1024xf32, #tpu.memory_space<vmem>>, vector<16xf32>,
    %swap3A_76 = arith.constant 112 : index
    %swap3A_77 = tpu.vector_load %arg9[%swap3A_76] {strides = array<i32>} : memref<1024xf32, #tpu.memory_space<vmem>>, vector<16xf32>,
    tpu.vector_store %arg9[%swap3A_76], %broadcast_in_dim3A_62 {strides = array<i32>} : memref<1024xf32, #tpu.memory_space<vmem>>, vector<16xf32>,
    %swap3A_78 = arith.constant 128 : index
    %swap3A_79 = tpu.vector_load %arg9[%swap3A_78] {strides = array<i32>} : memref<1024xf32, #tpu.memory_space<vmem>>, vector<16xf32>,
    tpu.vector_store %arg9[%swap3A_78], %broadcast_in_dim3A_62 {strides = array<i32>} : memref<1024xf32, #tpu.memory_space<vmem>>, vector<16xf32>,
    %swap3A_80 = arith.constant 144 : index
    %swap3A_81 = tpu.vector_load %arg9[%swap3A_80] {strides = array<i32>} : memref<1024xf32, #tpu.memory_space<vmem>>, vector<16xf32>,
    tpu.vector_store %arg9[%swap3A_80], %broadcast_in_dim3A_62 {strides = array<i32>} : memref<1024xf32, #tpu.memory_space<vmem>>, vector<16xf32>,
    %swap3A_82 = arith.constant 160 : index
    %swap3A_83 = tpu.vector_load %arg9[%swap3A_82] {strides = array<i32>} : memref<1024xf32, #tpu.memory_space<vmem>>, vector<16xf32>,
    tpu.vector_store %arg9[%swap3A_82], %broadcast_in_dim3A_62 {strides = array<i32>} : memref<1024xf32, #tpu.memory_space<vmem>>, vector<16xf32>,
    %swap3A_84 = arith.constant 176 : index
    %swap3A_85 = tpu.vector_load %arg9[%swap3A_84] {strides = array<i32>} : memref<1024xf32, #tpu.memory_space<vmem>>, vector<16xf32>,
    tpu.vector_store %arg9[%swap3A_84], %broadcast_in_dim3A_62 {strides = array<i32>} : memref<1024xf32, #tpu.memory_space<vmem>>, vector<16xf32>,
    %swap3A_86 = arith.constant 192 : index
    %swap3A_87 = tpu.vector_load %arg9[%swap3A_86] {strides = array<i32>} : memref<1024xf32, #tpu.memory_space<vmem>>, vector<16xf32>,
    tpu.vector_store %arg9[%swap3A_86], %broadcast_in_dim3A_62 {strides = array<i32>} : memref<1024xf32, #tpu.memory_space<vmem>>, vector<16xf32>,
    %swap3A_88 = arith.constant 208 : index
    %swap3A_89 = tpu.vector_load %arg9[%swap3A_88] {strides = array<i32>} : memref<1024xf32, #tpu.memory_space<vmem>>, vector<16xf32>,
    tpu.vector_store %arg9[%swap3A_88], %broadcast_in_dim3A_62 {strides = array<i32>} : memref<1024xf32, #tpu.memory_space<vmem>>, vector<16xf32>,
    %swap3A_90 = arith.constant 224 : index
    %swap3A_91 = tpu.vector_load %arg9[%swap3A_90] {strides = array<i32>} : memref<1024xf32, #tpu.memory_space<vmem>>, vector<16xf32>,
    tpu.vector_store %arg9[%swap3A_90], %broadcast_in_dim3A_62 {strides = array<i32>} : memref<1024xf32, #tpu.memory_space<vmem>>, vector<16xf32>,
    %swap3A_92 = arith.constant 240 : index
    %swap3A_93 = tpu.vector_load %arg9[%swap3A_92] {strides = array<i32>} : memref<1024xf32, #tpu.memory_space<vmem>>, vector<16xf32>,
    tpu.vector_store %arg9[%swap3A_92], %broadcast_in_dim3A_62 {strides = array<i32>} : memref<1024xf32, #tpu.memory_space<vmem>>, vector<16xf32>,
    %swap3A_94 = arith.constant 256 : index
    %swap3A_95 = tpu.vector_load %arg9[%swap3A_94] {strides = array<i32>} : memref<1024xf32, #tpu.memory_space<vmem>>, vector<16xf32>,
    tpu.vector_store %arg9[%swap3A_94], %broadcast_in_dim3A_62 {strides = array<i32>} : memref<1024xf32, #tpu.memory_space<vmem>>, vector<16xf32>,
    %swap3A_96 = arith.constant 272 : index
    %swap3A_97 = tpu.vector_load %arg9[%swap3A_96] {strides = array<i32>} : memref<1024xf32, #tpu.memory_space<vmem>>, vector<16xf32>,
    tpu.vector_store %arg9[%swap3A_96], %broadcast_in_dim3A_62 {strides = array<i32>} : memref<1024xf32, #tpu.memory_space<vmem>>, vector<16xf32>,
    %swap3A_98 = arith.constant 288 : index
    %swap3A_99 = tpu.vector_load %arg9[%swap3A_98] {strides = array<i32>} : memref<1024xf32, #tpu.memory_space<vmem>>, vector<16xf32>,
    tpu.vector_store %arg9[%swap3A_98], %broadcast_in_dim3A_62 {strides = array<i32>} : memref<1024xf32, #tpu.memory_space<vmem>>, vector<16xf32>,
    %swap3A_100 = arith.constant 304 : index
    %swap3A_101 = tpu.vector_load %arg9[%swap3A_100] {strides = array<i32>} : memref<1024xf32, #tpu.memory_space<vmem>>, vector<16xf32>,
    tpu.vector_store %arg9[%swap3A_100], %broadcast_in_dim3A_62 {strides = array<i32>} : memref<1024xf32, #tpu.memory_space<vmem>>, vector<16xf32>,
    %swap3A_102 = arith.constant 320 : index
    %swap3A_103 = tpu.vector_load %arg9[%swap3A_102] {strides = array<i32>} : memref<1024xf32, #tpu.memory_space<vmem>>, vector<16xf32>,
    tpu.vector_store %arg9[%swap3A_102], %broadcast_in_dim3A_62 {strides = array<i32>} : memref<1024xf32, #tpu.memory_space<vmem>>, vector<16xf32>,
    %swap3A_104 = arith.constant 336 : index
    %swap3A_105 = tpu.vector_load %arg9[%swap3A_104] {strides = array<i32>} : memref<1024xf32, #tpu.memory_space<vmem>>, vector<16xf32>,
    tpu.vector_store %arg9[%swap3A_104], %broadcast_in_dim3A_62 {strides = array<i32>} : memref<1024xf32, #tpu.memory_space<vmem>>, vector<16xf32>,
    %swap3A_106 = arith.constant 352 : index
    %swap3A_107 = tpu.vector_load %arg9[%swap3A_106] {strides = array<i32>} : memref<1024xf32, #tpu.memory_space<vmem>>, vector<16xf32>,
    tpu.vector_store %arg9[%swap3A_106], %broadcast_in_dim3A_62 {strides = array<i32>} : memref<1024xf32, #tpu.memory_space<vmem>>, vector<16xf32>,
    %swap3A_108 = arith.constant 368 : index
    %swap3A_109 = tpu.vector_load %arg9[%swap3A_108] {strides = array<i32>} : memref<1024xf32, #tpu.memory_space<vmem>>, vector<16xf32>,
    tpu.vector_store %arg9[%swap3A_108], %broadcast_in_dim3A_62 {strides = array<i32>} : memref<1024xf32, #tpu.memory_space<vmem>>, vector<16xf32>,
    %swap3A_110 = arith.constant 384 : index
    %swap3A_111 = tpu.vector_load %arg9[%swap3A_110] {strides = array<i32>} : memref<1024xf32, #tpu.memory_space<vmem>>, vector<16xf32>,
    tpu.vector_store %arg9[%swap3A_110], %broadcast_in_dim3A_62 {strides = array<i32>} : memref<1024xf32, #tpu.memory_space<vmem>>, vector<16xf32>,
    %swap3A_112 = arith.constant 400 : index
    %swap3A_113 = tpu.vector_load %arg9[%swap3A_112] {strides = array<i32>} : memref<1024xf32, #tpu.memory_space<vmem>>, vector<16xf32>,
    tpu.vector_store %arg9[%swap3A_112], %broadcast_in_dim3A_62 {strides = array<i32>} : memref<1024xf32, #tpu.memory_space<vmem>>, vector<16xf32>,
    %swap3A_114 = arith.constant 416 : index
    %swap3A_115 = tpu.vector_load %arg9[%swap3A_114] {strides = array<i32>} : memref<1024xf32, #tpu.memory_space<vmem>>, vector<16xf32>,
    tpu.vector_store %arg9[%swap3A_114], %broadcast_in_dim3A_62 {strides = array<i32>} : memref<1024xf32, #tpu.memory_space<vmem>>, vector<16xf32>,
    %swap3A_116 = arith.constant 432 : index
    %swap3A_117 = tpu.vector_load %arg9[%swap3A_116] {strides = array<i32>} : memref<1024xf32, #tpu.memory_space<vmem>>, vector<16xf32>,
    tpu.vector_store %arg9[%swap3A_116], %broadcast_in_dim3A_62 {strides = array<i32>} : memref<1024xf32, #tpu.memory_space<vmem>>, vector<16xf32>,
    %swap3A_118 = arith.constant 448 : index
    %swap3A_119 = tpu.vector_load %arg9[%swap3A_118] {strides = array<i32>} : memref<1024xf32, #tpu.memory_space<vmem>>, vector<16xf32>,
    tpu.vector_store %arg9[%swap3A_118], %broadcast_in_dim3A_62 {strides = array<i32>} : memref<1024xf32, #tpu.memory_space<vmem>>, vector<16xf32>,
    %swap3A_120 = arith.constant 464 : index
    %swap3A_121 = tpu.vector_load %arg9[%swap3A_120] {strides = array<i32>} : memref<1024xf32, #tpu.memory_space<vmem>>, vector<16xf32>,
    tpu.vector_store %arg9[%swap3A_120], %broadcast_in_dim3A_62 {strides = array<i32>} : memref<1024xf32, #tpu.memory_space<vmem>>, vector<16xf32>,
    %swap3A_122 = arith.constant 480 : index
    %swap3A_123 = tpu.vector_load %arg9[%swap3A_122] {strides = array<i32>} : memref<1024xf32, #tpu.memory_space<vmem>>, vector<16xf32>,
    tpu.vector_store %arg9[%swap3A_122], %broadcast_in_dim3A_62 {strides = array<i32>} : memref<1024xf32, #tpu.memory_space<vmem>>, vector<16xf32>,
    %swap3A_124 = arith.constant 496 : index
    %swap3A_125 = tpu.vector_load %arg9[%swap3A_124] {strides = array<i32>} : memref<1024xf32, #tpu.memory_space<vmem>>, vector<16xf32>,
    tpu.vector_store %arg9[%swap3A_124], %broadcast_in_dim3A_62 {strides = array<i32>} : memref<1024xf32, #tpu.memory_space<vmem>>, vector<16xf32>,
    %swap3A_126 = arith.constant 512 : index
    %swap3A_127 = tpu.vector_load %arg9[%swap3A_126] {strides = array<i32>} : memref<1024xf32, #tpu.memory_space<vmem>>, vector<16xf32>,
    tpu.vector_store %arg9[%swap3A_126], %broadcast_in_dim3A_62 {strides = array<i32>} : memref<1024xf32, #tpu.memory_space<vmem>>, vector<16xf32>,
    %swap3A_128 = arith.constant 528 : index
    %swap3A_129 = tpu.vector_load %arg9[%swap3A_128] {strides = array<i32>} : memref<1024xf32, #tpu.memory_space<vmem>>, vector<16xf32>,
    tpu.vector_store %arg9[%swap3A_128], %broadcast_in_dim3A_62 {strides = array<i32>} : memref<1024xf32, #tpu.memory_space<vmem>>, vector<16xf32>,
    %swap3A_130 = arith.constant 544 : index
    %swap3A_131 = tpu.vector_load %arg9[%swap3A_130] {strides = array<i32>} : memref<1024xf32, #tpu.memory_space<vmem>>, vector<16xf32>,
    tpu.vector_store %arg9[%swap3A_130], %broadcast_in_dim3A_62 {strides = array<i32>} : memref<1024xf32, #tpu.memory_space<vmem>>, vector<16xf32>,
    %swap3A_132 = arith.constant 560 : index
    %swap3A_133 = tpu.vector_load %arg9[%swap3A_132] {strides = array<i32>} : memref<1024xf32, #tpu.memory_space<vmem>>, vector<16xf32>,
    tpu.vector_store %arg9[%swap3A_132], %broadcast_in_dim3A_62 {strides = array<i32>} : memref<1024xf32, #tpu.memory_space<vmem>>, vector<16xf32>,
    %swap3A_134 = arith.constant 576 : index
    %swap3A_135 = tpu.vector_load %arg9[%swap3A_134] {strides = array<i32>} : memref<1024xf32, #tpu.memory_space<vmem>>, vector<16xf32>,
    tpu.vector_store %arg9[%swap3A_134], %broadcast_in_dim3A_62 {strides = array<i32>} : memref<1024xf32, #tpu.memory_space<vmem>>, vector<16xf32>,
    %swap3A_136 = arith.constant 592 : index
    %swap3A_137 = tpu.vector_load %arg9[%swap3A_136] {strides = array<i32>} : memref<1024xf32, #tpu.memory_space<vmem>>, vector<16xf32>,
    tpu.vector_store %arg9[%swap3A_136], %broadcast_in_dim3A_62 {strides = array<i32>} : memref<1024xf32, #tpu.memory_space<vmem>>, vector<16xf32>,
    %swap3A_138 = arith.constant 608 : index
    %swap3A_139 = tpu.vector_load %arg9[%swap3A_138] {strides = array<i32>} : memref<1024xf32, #tpu.memory_space<vmem>>, vector<16xf32>,
    tpu.vector_store %arg9[%swap3A_138], %broadcast_in_dim3A_62 {strides = array<i32>} : memref<1024xf32, #tpu.memory_space<vmem>>, vector<16xf32>,
    %swap3A_140 = arith.constant 624 : index
    %swap3A_141 = tpu.vector_load %arg9[%swap3A_140] {strides = array<i32>} : memref<1024xf32, #tpu.memory_space<vmem>>, vector<16xf32>,
    tpu.vector_store %arg9[%swap3A_140], %broadcast_in_dim3A_62 {strides = array<i32>} : memref<1024xf32, #tpu.memory_space<vmem>>, vector<16xf32>,
    %swap3A_142 = arith.constant 640 : index
    %swap3A_143 = tpu.vector_load %arg9[%swap3A_142] {strides = array<i32>} : memref<1024xf32, #tpu.memory_space<vmem>>, vector<16xf32>,
    tpu.vector_store %arg9[%swap3A_142], %broadcast_in_dim3A_62 {strides = array<i32>} : memref<1024xf32, #tpu.memory_space<vmem>>, vector<16xf32>,
    %swap3A_144 = arith.constant 656 : index
    %swap3A_145 = tpu.vector_load %arg9[%swap3A_144] {strides = array<i32>} : memref<1024xf32, #tpu.memory_space<vmem>>, vector<16xf32>,
    tpu.vector_store %arg9[%swap3A_144], %broadcast_in_dim3A_62 {strides = array<i32>} : memref<1024xf32, #tpu.memory_space<vmem>>, vector<16xf32>,
    %swap3A_146 = arith.constant 672 : index
    %swap3A_147 = tpu.vector_load %arg9[%swap3A_146] {strides = array<i32>} : memref<1024xf32, #tpu.memory_space<vmem>>, vector<16xf32>,
    tpu.vector_store %arg9[%swap3A_146], %broadcast_in_dim3A_62 {strides = array<i32>} : memref<1024xf32, #tpu.memory_space<vmem>>, vector<16xf32>,
    %swap3A_148 = arith.constant 688 : index
    %swap3A_149 = tpu.vector_load %arg9[%swap3A_148] {strides = array<i32>} : memref<1024xf32, #tpu.memory_space<vmem>>, vector<16xf32>,
    tpu.vector_store %arg9[%swap3A_148], %broadcast_in_dim3A_62 {strides = array<i32>} : memref<1024xf32, #tpu.memory_space<vmem>>, vector<16xf32>,
    %swap3A_150 = arith.constant 704 : index
    %swap3A_151 = tpu.vector_load %arg9[%swap3A_150] {strides = array<i32>} : memref<1024xf32, #tpu.memory_space<vmem>>, vector<16xf32>,
    tpu.vector_store %arg9[%swap3A_150], %broadcast_in_dim3A_62 {strides = array<i32>} : memref<1024xf32, #tpu.memory_space<vmem>>, vector<16xf32>,
    %swap3A_152 = arith.constant 720 : index
    %swap3A_153 = tpu.vector_load %arg9[%swap3A_152] {strides = array<i32>} : memref<1024xf32, #tpu.memory_space<vmem>>, vector<16xf32>,
    tpu.vector_store %arg9[%swap3A_152], %broadcast_in_dim3A_62 {strides = array<i32>} : memref<1024xf32, #tpu.memory_space<vmem>>, vector<16xf32>,
    %swap3A_154 = arith.constant 736 : index
    %swap3A_155 = tpu.vector_load %arg9[%swap3A_154] {strides = array<i32>} : memref<1024xf32, #tpu.memory_space<vmem>>, vector<16xf32>,
    tpu.vector_store %arg9[%swap3A_154], %broadcast_in_dim3A_62 {strides = array<i32>} : memref<1024xf32, #tpu.memory_space<vmem>>, vector<16xf32>,
    %swap3A_156 = arith.constant 752 : index
    %swap3A_157 = tpu.vector_load %arg9[%swap3A_156] {strides = array<i32>} : memref<1024xf32, #tpu.memory_space<vmem>>, vector<16xf32>,
    tpu.vector_store %arg9[%swap3A_156], %broadcast_in_dim3A_62 {strides = array<i32>} : memref<1024xf32, #tpu.memory_space<vmem>>, vector<16xf32>,
    %swap3A_158 = arith.constant 768 : index
    %swap3A_159 = tpu.vector_load %arg9[%swap3A_158] {strides = array<i32>} : memref<1024xf32, #tpu.memory_space<vmem>>, vector<16xf32>,
    tpu.vector_store %arg9[%swap3A_158], %broadcast_in_dim3A_62 {strides = array<i32>} : memref<1024xf32, #tpu.memory_space<vmem>>, vector<16xf32>,
    %swap3A_160 = arith.constant 784 : index
    %swap3A_161 = tpu.vector_load %arg9[%swap3A_160] {strides = array<i32>} : memref<1024xf32, #tpu.memory_space<vmem>>, vector<16xf32>,
    tpu.vector_store %arg9[%swap3A_160], %broadcast_in_dim3A_62 {strides = array<i32>} : memref<1024xf32, #tpu.memory_space<vmem>>, vector<16xf32>,
    %swap3A_162 = arith.constant 800 : index
    %swap3A_163 = tpu.vector_load %arg9[%swap3A_162] {strides = array<i32>} : memref<1024xf32, #tpu.memory_space<vmem>>, vector<16xf32>,
    tpu.vector_store %arg9[%swap3A_162], %broadcast_in_dim3A_62 {strides = array<i32>} : memref<1024xf32, #tpu.memory_space<vmem>>, vector<16xf32>,
    %swap3A_164 = arith.constant 816 : index
    %swap3A_165 = tpu.vector_load %arg9[%swap3A_164] {strides = array<i32>} : memref<1024xf32, #tpu.memory_space<vmem>>, vector<16xf32>,
    tpu.vector_store %arg9[%swap3A_164], %broadcast_in_dim3A_62 {strides = array<i32>} : memref<1024xf32, #tpu.memory_space<vmem>>, vector<16xf32>,
    %swap3A_166 = arith.constant 832 : index
    %swap3A_167 = tpu.vector_load %arg9[%swap3A_166] {strides = array<i32>} : memref<1024xf32, #tpu.memory_space<vmem>>, vector<16xf32>,
    tpu.vector_store %arg9[%swap3A_166], %broadcast_in_dim3A_62 {strides = array<i32>} : memref<1024xf32, #tpu.memory_space<vmem>>, vector<16xf32>,
    %swap3A_168 = arith.constant 848 : index
    %swap3A_169 = tpu.vector_load %arg9[%swap3A_168] {strides = array<i32>} : memref<1024xf32, #tpu.memory_space<vmem>>, vector<16xf32>,
    tpu.vector_store %arg9[%swap3A_168], %broadcast_in_dim3A_62 {strides = array<i32>} : memref<1024xf32, #tpu.memory_space<vmem>>, vector<16xf32>,
    %swap3A_170 = arith.constant 864 : index
    %swap3A_171 = tpu.vector_load %arg9[%swap3A_170] {strides = array<i32>} : memref<1024xf32, #tpu.memory_space<vmem>>, vector<16xf32>,
    tpu.vector_store %arg9[%swap3A_170], %broadcast_in_dim3A_62 {strides = array<i32>} : memref<1024xf32, #tpu.memory_space<vmem>>, vector<16xf32>,
    %swap3A_172 = arith.constant 880 : index
    %swap3A_173 = tpu.vector_load %arg9[%swap3A_172] {strides = array<i32>} : memref<1024xf32, #tpu.memory_space<vmem>>, vector<16xf32>,
    tpu.vector_store %arg9[%swap3A_172], %broadcast_in_dim3A_62 {strides = array<i32>} : memref<1024xf32, #tpu.memory_space<vmem>>, vector<16xf32>,
    %swap3A_174 = arith.constant 896 : index
    %swap3A_175 = tpu.vector_load %arg9[%swap3A_174] {strides = array<i32>} : memref<1024xf32, #tpu.memory_space<vmem>>, vector<16xf32>,
    tpu.vector_store %arg9[%swap3A_174], %broadcast_in_dim3A_62 {strides = array<i32>} : memref<1024xf32, #tpu.memory_space<vmem>>, vector<16xf32>,
    %swap3A_176 = arith.constant 912 : index
    %swap3A_177 = tpu.vector_load %arg9[%swap3A_176] {strides = array<i32>} : memref<1024xf32, #tpu.memory_space<vmem>>, vector<16xf32>,
    tpu.vector_store %arg9[%swap3A_176], %broadcast_in_dim3A_62 {strides = array<i32>} : memref<1024xf32, #tpu.memory_space<vmem>>, vector<16xf32>,
    %swap3A_178 = arith.constant 928 : index
    %swap3A_179 = tpu.vector_load %arg9[%swap3A_178] {strides = array<i32>} : memref<1024xf32, #tpu.memory_space<vmem>>, vector<16xf32>,
    tpu.vector_store %arg9[%swap3A_178], %broadcast_in_dim3A_62 {strides = array<i32>} : memref<1024xf32, #tpu.memory_space<vmem>>, vector<16xf32>,
    %swap3A_180 = arith.constant 944 : index
    %swap3A_181 = tpu.vector_load %arg9[%swap3A_180] {strides = array<i32>} : memref<1024xf32, #tpu.memory_space<vmem>>, vector<16xf32>,
    tpu.vector_store %arg9[%swap3A_180], %broadcast_in_dim3A_62 {strides = array<i32>} : memref<1024xf32, #tpu.memory_space<vmem>>, vector<16xf32>,
    %swap3A_182 = arith.constant 960 : index
    %swap3A_183 = tpu.vector_load %arg9[%swap3A_182] {strides = array<i32>} : memref<1024xf32, #tpu.memory_space<vmem>>, vector<16xf32>,
    tpu.vector_store %arg9[%swap3A_182], %broadcast_in_dim3A_62 {strides = array<i32>} : memref<1024xf32, #tpu.memory_space<vmem>>, vector<16xf32>,
    %swap3A_184 = arith.constant 976 : index
    %swap3A_185 = tpu.vector_load %arg9[%swap3A_184] {strides = array<i32>} : memref<1024xf32, #tpu.memory_space<vmem>>, vector<16xf32>,
    tpu.vector_store %arg9[%swap3A_184], %broadcast_in_dim3A_62 {strides = array<i32>} : memref<1024xf32, #tpu.memory_space<vmem>>, vector<16xf32>,
    %swap3A_186 = arith.constant 992 : index
    %swap3A_187 = tpu.vector_load %arg9[%swap3A_186] {strides = array<i32>} : memref<1024xf32, #tpu.memory_space<vmem>>, vector<16xf32>,
    tpu.vector_store %arg9[%swap3A_186], %broadcast_in_dim3A_62 {strides = array<i32>} : memref<1024xf32, #tpu.memory_space<vmem>>, vector<16xf32>,
    %swap3A_188 = arith.constant 1008 : index
    %swap3A_189 = tpu.vector_load %arg9[%swap3A_188] {strides = array<i32>} : memref<1024xf32, #tpu.memory_space<vmem>>, vector<16xf32>,
    tpu.vector_store %arg9[%swap3A_188], %broadcast_in_dim3A_62 {strides = array<i32>} : memref<1024xf32, #tpu.memory_space<vmem>>, vector<16xf32>,
    %broadcast_in_dim3A_190 = arith.constant 1.000000e+00 : f32
    %broadcast_in_dim3A_191 = vector.broadcast %broadcast_in_dim3A_190 : f32 to vector<16xf32>
    %dma_wait3A = arith.constant 0 : i32
    %dma_wait3A_192 = arith.constant 0 : i32
    %dma_wait3A_193 = tpu.memref_slice %arg6[%dma_wait3A, %dma_wait3A_192] <%multiple_of3A> : memref<8x3200xf32, #tpu.memory_space<vmem>> -> memref<8x?xf32, #tpu.memory_space<vmem>>
    %dma_wait3A_194 = arith.constant 0 : i32
    %dma_wait3A_195 = tpu.memref_slice %arg2[%dma_wait3A_194, %mul3A_2] <%multiple_of3A> : memref<13x100000xf32, #tpu.memory_space<hbm>> -> memref<8x?xf32, #tpu.memory_space<hbm>>
    %dma_wait3A_196 = arith.constant 0 : i32
    %dma_wait3A_197 = arith.constant 0 : i32
    %dma_wait3A_198 = tpu.memref_slice %arg6[%dma_wait3A_196, %dma_wait3A_197] <%multiple_of3A> : memref<8x3200xf32, #tpu.memory_space<vmem>> -> memref<8x?xf32, #tpu.memory_space<vmem>>
    %dma_wait3A_199 = arith.constant 0 : i32
    %dma_wait3A_200 = tpu.memref_slice %arg2[%dma_wait3A_199, %mul3A_2] <%multiple_of3A> : memref<13x100000xf32, #tpu.memory_space<hbm>> -> memref<8x?xf32, #tpu.memory_space<hbm>>
    tpu.wait_dma2 semaphore(%arg13 : memref<!tpu.dma_semaphore, #tpu.memory_space<semaphore_mem>>) src(%dma_wait3A_200 : memref<8x?xf32, #tpu.memory_space<hbm>>) dst(%dma_wait3A_198 : memref<8x?xf32, #tpu.memory_space<vmem>>)
    %dma_wait3A_201 = arith.constant 0 : i32
    %dma_wait3A_202 = arith.constant 0 : i32
    %dma_wait3A_203 = tpu.memref_slice %arg7[%dma_wait3A_201, %dma_wait3A_202] <%multiple_of3A> : memref<3x3200xf32, #tpu.memory_space<vmem>> -> memref<3x?xf32, #tpu.memory_space<vmem>>
    %dma_wait3A_204 = arith.constant 0 : i32
    %dma_wait3A_205 = tpu.memref_slice %arg3[%dma_wait3A_204, %mul3A_2] <%multiple_of3A> : memref<3x100000xf32, #tpu.memory_space<hbm>> -> memref<3x?xf32, #tpu.memory_space<hbm>>
    %dma_wait3A_206 = arith.constant 0 : i32
    %dma_wait3A_207 = arith.constant 0 : i32
    %dma_wait3A_208 = tpu.memref_slice %arg7[%dma_wait3A_206, %dma_wait3A_207] <%multiple_of3A> : memref<3x3200xf32, #tpu.memory_space<vmem>> -> memref<3x?xf32, #tpu.memory_space<vmem>>
    %dma_wait3A_209 = arith.constant 0 : i32
    %dma_wait3A_210 = tpu.memref_slice %arg3[%dma_wait3A_209, %mul3A_2] <%multiple_of3A> : memref<3x100000xf32, #tpu.memory_space<hbm>> -> memref<3x?xf32, #tpu.memory_space<hbm>>
    tpu.wait_dma2 semaphore(%arg13 : memref<!tpu.dma_semaphore, #tpu.memory_space<semaphore_mem>>) src(%dma_wait3A_210 : memref<3x?xf32, #tpu.memory_space<hbm>>) dst(%dma_wait3A_208 : memref<3x?xf32, #tpu.memory_space<vmem>>)
    %dma_wait3A_211 = arith.constant 0 : i32
    %dma_wait3A_212 = tpu.memref_slice %arg8[%dma_wait3A_211] <%multiple_of3A> : memref<3200xi32, #tpu.memory_space<vmem>> -> memref<?xi32, #tpu.memory_space<vmem>>
    %dma_wait3A_213 = tpu.memref_slice %arg4[%mul3A_2] <%multiple_of3A> : memref<100000xi32, #tpu.memory_space<hbm>> -> memref<?xi32, #tpu.memory_space<hbm>>
    %dma_wait3A_214 = arith.constant 0 : i32
    %dma_wait3A_215 = tpu.memref_slice %arg8[%dma_wait3A_214] <%multiple_of3A> : memref<3200xi32, #tpu.memory_space<vmem>> -> memref<?xi32, #tpu.memory_space<vmem>>
    %dma_wait3A_216 = tpu.memref_slice %arg4[%mul3A_2] <%multiple_of3A> : memref<100000xi32, #tpu.memory_space<hbm>> -> memref<?xi32, #tpu.memory_space<hbm>>
    tpu.wait_dma2 semaphore(%arg13 : memref<!tpu.dma_semaphore, #tpu.memory_space<semaphore_mem>>) src(%dma_wait3A_216 : memref<?xi32, #tpu.memory_space<hbm>>) dst(%dma_wait3A_215 : memref<?xi32, #tpu.memory_space<vmem>>)
    %while3A = arith.constant 0 : i32
    %while3A_217 = arith.constant 0 : i32
    %while3A_218 = arith.subi %select_n3A_58, %while3A_217 : i32
    %while3A_219 = arith.addi %while3A_217, %while3A_218 : i32
    %while3A_220 = arith.constant 1 : i32
    %while3A_221 = arith.divsi %while3A_218, %while3A_220 : i32
    %while3A_222 = arith.muli %while3A_221, %while3A_220 : i32
    %while3A_223 = arith.addi %while3A_217, %while3A_222 : i32
    %while3A_224 = arith.constant 1 : i32
    scf.for %while3A_257 = %while3A_217 to %while3A_223 step %while3A_224  : i32 {
      %mul3A_258 = arith.constant 16 : i32
      %mul3A_259 = arith.muli %while3A_257, %mul3A_258 : i32
      %get3A = arith.index_cast %mul3A_259 : i32 to index
      %get3A_260 = tpu.vector_load %arg8[%get3A] {strides = array<i32>} : memref<3200xi32, #tpu.memory_space<vmem>>, vector<16xi32>,
      %get3A_261 = arith.constant 3 : i32
      %get3A_262 = arith.index_cast %get3A_261 : i32 to index
      %get3A_263 = arith.index_cast %mul3A_259 : i32 to index
      %get3A_264 = tpu.vector_load %arg6[%get3A_262, %get3A_263] {strides = array<i32>} : memref<8x3200xf32, #tpu.memory_space<vmem>>, vector<16xf32>,
      %get3A_265 = arith.constant 4 : i32
      %get3A_266 = arith.index_cast %get3A_265 : i32 to index
      %get3A_267 = arith.index_cast %mul3A_259 : i32 to index
      %get3A_268 = tpu.vector_load %arg6[%get3A_266, %get3A_267] {strides = array<i32>} : memref<8x3200xf32, #tpu.memory_space<vmem>>, vector<16xf32>,
      %get3A_269 = arith.constant 5 : i32
      %get3A_270 = arith.index_cast %get3A_269 : i32 to index
      %get3A_271 = arith.index_cast %mul3A_259 : i32 to index
      %get3A_272 = tpu.vector_load %arg6[%get3A_270, %get3A_271] {strides = array<i32>} : memref<8x3200xf32, #tpu.memory_space<vmem>>, vector<16xf32>,
      %get3A_273 = arith.constant 6 : i32
      %get3A_274 = arith.index_cast %get3A_273 : i32 to index
      %get3A_275 = arith.index_cast %mul3A_259 : i32 to index
      %get3A_276 = tpu.vector_load %arg6[%get3A_274, %get3A_275] {strides = array<i32>} : memref<8x3200xf32, #tpu.memory_space<vmem>>, vector<16xf32>,
      %gt3A = arith.cmpf ogt, %get3A_268, %get3A_264 : vector<16xf32>
      %ge3A = arith.cmpf oge, %get3A_268, %get3A_272 : vector<16xf32>
      %and3A = arith.andi %gt3A, %ge3A : vector<16xi1>
      %ge3A_277 = arith.cmpf oge, %get3A_268, %get3A_276 : vector<16xf32>
      %and3A_278 = arith.andi %and3A, %ge3A_277 : vector<16xi1>
      %get3A_279 = arith.constant 0 : i32
      %get3A_280 = arith.index_cast %get3A_279 : i32 to index
      %get3A_281 = arith.index_cast %mul3A_259 : i32 to index
      %get3A_282 = tpu.vector_load %arg7[%get3A_280, %get3A_281] {strides = array<i32>} : memref<3x3200xf32, #tpu.memory_space<vmem>>, vector<16xf32>,
      %get3A_283 = arith.constant 1 : i32
      %get3A_284 = arith.index_cast %get3A_283 : i32 to index
      %get3A_285 = arith.index_cast %mul3A_259 : i32 to index
      %get3A_286 = tpu.vector_load %arg7[%get3A_284, %get3A_285] {strides = array<i32>} : memref<3x3200xf32, #tpu.memory_space<vmem>>, vector<16xf32>,
      %get3A_287 = arith.constant 2 : i32
      %get3A_288 = arith.index_cast %get3A_287 : i32 to index
      %get3A_289 = arith.index_cast %mul3A_259 : i32 to index
      %get3A_290 = tpu.vector_load %arg7[%get3A_288, %get3A_289] {strides = array<i32>} : memref<3x3200xf32, #tpu.memory_space<vmem>>, vector<16xf32>,
      tpu.vector_store_idx %arg9[%get3A_260], %broadcast_in_dim3A_191 masked %and3A_278 {add = true} : memref<1024xf32, #tpu.memory_space<vmem>>[vector<16xi32>], vector<16xf32>, vector<16xi1>
      %add3A_291 = arith.constant 256 : i32
      %add3A_292 = vector.broadcast %add3A_291 : i32 to vector<16xi32>
      %add3A_293 = arith.addi %get3A_260, %add3A_292 : vector<16xi32>
      tpu.vector_store_idx %arg9[%add3A_293], %get3A_282 masked %and3A_278 {add = true} : memref<1024xf32, #tpu.memory_space<vmem>>[vector<16xi32>], vector<16xf32>, vector<16xi1>
      %add3A_294 = arith.constant 512 : i32
      %add3A_295 = vector.broadcast %add3A_294 : i32 to vector<16xi32>
      %add3A_296 = arith.addi %get3A_260, %add3A_295 : vector<16xi32>
      tpu.vector_store_idx %arg9[%add3A_296], %get3A_286 masked %and3A_278 {add = true} : memref<1024xf32, #tpu.memory_space<vmem>>[vector<16xi32>], vector<16xf32>, vector<16xi1>
      %add3A_297 = arith.constant 768 : i32
      %add3A_298 = vector.broadcast %add3A_297 : i32 to vector<16xi32>
      %add3A_299 = arith.addi %get3A_260, %add3A_298 : vector<16xi32>
      tpu.vector_store_idx %arg9[%add3A_299], %get3A_290 masked %and3A_278 {add = true} : memref<1024xf32, #tpu.memory_space<vmem>>[vector<16xi32>], vector<16xf32>, vector<16xi1>
    }
    %while3A_225 = arith.constant 1 : i32
    scf.for %while3A_257 = %while3A_223 to %while3A_219 step %while3A_225  : i32 {
      %mul3A_258 = arith.constant 16 : i32
      %mul3A_259 = arith.muli %while3A_257, %mul3A_258 : i32
      %get3A = arith.index_cast %mul3A_259 : i32 to index
      %get3A_260 = tpu.vector_load %arg8[%get3A] {strides = array<i32>} : memref<3200xi32, #tpu.memory_space<vmem>>, vector<16xi32>,
      %get3A_261 = arith.constant 3 : i32
      %get3A_262 = arith.index_cast %get3A_261 : i32 to index
      %get3A_263 = arith.index_cast %mul3A_259 : i32 to index
      %get3A_264 = tpu.vector_load %arg6[%get3A_262, %get3A_263] {strides = array<i32>} : memref<8x3200xf32, #tpu.memory_space<vmem>>, vector<16xf32>,
      %get3A_265 = arith.constant 4 : i32
      %get3A_266 = arith.index_cast %get3A_265 : i32 to index
      %get3A_267 = arith.index_cast %mul3A_259 : i32 to index
      %get3A_268 = tpu.vector_load %arg6[%get3A_266, %get3A_267] {strides = array<i32>} : memref<8x3200xf32, #tpu.memory_space<vmem>>, vector<16xf32>,
      %get3A_269 = arith.constant 5 : i32
      %get3A_270 = arith.index_cast %get3A_269 : i32 to index
      %get3A_271 = arith.index_cast %mul3A_259 : i32 to index
      %get3A_272 = tpu.vector_load %arg6[%get3A_270, %get3A_271] {strides = array<i32>} : memref<8x3200xf32, #tpu.memory_space<vmem>>, vector<16xf32>,
      %get3A_273 = arith.constant 6 : i32
      %get3A_274 = arith.index_cast %get3A_273 : i32 to index
      %get3A_275 = arith.index_cast %mul3A_259 : i32 to index
      %get3A_276 = tpu.vector_load %arg6[%get3A_274, %get3A_275] {strides = array<i32>} : memref<8x3200xf32, #tpu.memory_space<vmem>>, vector<16xf32>,
      %gt3A = arith.cmpf ogt, %get3A_268, %get3A_264 : vector<16xf32>
      %ge3A = arith.cmpf oge, %get3A_268, %get3A_272 : vector<16xf32>
      %and3A = arith.andi %gt3A, %ge3A : vector<16xi1>
      %ge3A_277 = arith.cmpf oge, %get3A_268, %get3A_276 : vector<16xf32>
      %and3A_278 = arith.andi %and3A, %ge3A_277 : vector<16xi1>
      %get3A_279 = arith.constant 0 : i32
      %get3A_280 = arith.index_cast %get3A_279 : i32 to index
      %get3A_281 = arith.index_cast %mul3A_259 : i32 to index
      %get3A_282 = tpu.vector_load %arg7[%get3A_280, %get3A_281] {strides = array<i32>} : memref<3x3200xf32, #tpu.memory_space<vmem>>, vector<16xf32>,
      %get3A_283 = arith.constant 1 : i32
      %get3A_284 = arith.index_cast %get3A_283 : i32 to index
      %get3A_285 = arith.index_cast %mul3A_259 : i32 to index
      %get3A_286 = tpu.vector_load %arg7[%get3A_284, %get3A_285] {strides = array<i32>} : memref<3x3200xf32, #tpu.memory_space<vmem>>, vector<16xf32>,
      %get3A_287 = arith.constant 2 : i32
      %get3A_288 = arith.index_cast %get3A_287 : i32 to index
      %get3A_289 = arith.index_cast %mul3A_259 : i32 to index
      %get3A_290 = tpu.vector_load %arg7[%get3A_288, %get3A_289] {strides = array<i32>} : memref<3x3200xf32, #tpu.memory_space<vmem>>, vector<16xf32>,
      tpu.vector_store_idx %arg9[%get3A_260], %broadcast_in_dim3A_191 masked %and3A_278 {add = true} : memref<1024xf32, #tpu.memory_space<vmem>>[vector<16xi32>], vector<16xf32>, vector<16xi1>
      %add3A_291 = arith.constant 256 : i32
      %add3A_292 = vector.broadcast %add3A_291 : i32 to vector<16xi32>
      %add3A_293 = arith.addi %get3A_260, %add3A_292 : vector<16xi32>
      tpu.vector_store_idx %arg9[%add3A_293], %get3A_282 masked %and3A_278 {add = true} : memref<1024xf32, #tpu.memory_space<vmem>>[vector<16xi32>], vector<16xf32>, vector<16xi1>
      %add3A_294 = arith.constant 512 : i32
      %add3A_295 = vector.broadcast %add3A_294 : i32 to vector<16xi32>
      %add3A_296 = arith.addi %get3A_260, %add3A_295 : vector<16xi32>
      tpu.vector_store_idx %arg9[%add3A_296], %get3A_286 masked %and3A_278 {add = true} : memref<1024xf32, #tpu.memory_space<vmem>>[vector<16xi32>], vector<16xf32>, vector<16xi1>
      %add3A_297 = arith.constant 768 : i32
      %add3A_298 = vector.broadcast %add3A_297 : i32 to vector<16xi32>
      %add3A_299 = arith.addi %get3A_260, %add3A_298 : vector<16xi32>
      tpu.vector_store_idx %arg9[%add3A_299], %get3A_290 masked %and3A_278 {add = true} : memref<1024xf32, #tpu.memory_space<vmem>>[vector<16xi32>], vector<16xf32>, vector<16xi1>
    }
    %dma_wait3A_226 = arith.constant 0 : i32
    %dma_wait3A_227 = tpu.memref_slice %arg6[%dma_wait3A_226, %multiple_of3A] <%multiple_of3A_8> : memref<8x3200xf32, #tpu.memory_space<vmem>> -> memref<8x?xf32, #tpu.memory_space<vmem>>
    %dma_wait3A_228 = arith.constant 0 : i32
    %dma_wait3A_229 = tpu.memref_slice %arg2[%dma_wait3A_228, %multiple_of3A_35] <%multiple_of3A_8> : memref<13x100000xf32, #tpu.memory_space<hbm>> -> memref<8x?xf32, #tpu.memory_space<hbm>>
    %dma_wait3A_230 = arith.constant 0 : i32
    %dma_wait3A_231 = tpu.memref_slice %arg6[%dma_wait3A_230, %multiple_of3A] <%multiple_of3A_8> : memref<8x3200xf32, #tpu.memory_space<vmem>> -> memref<8x?xf32, #tpu.memory_space<vmem>>
    %dma_wait3A_232 = arith.constant 0 : i32
    %dma_wait3A_233 = tpu.memref_slice %arg2[%dma_wait3A_232, %multiple_of3A_35] <%multiple_of3A_8> : memref<13x100000xf32, #tpu.memory_space<hbm>> -> memref<8x?xf32, #tpu.memory_space<hbm>>
    tpu.wait_dma2 semaphore(%arg14 : memref<!tpu.dma_semaphore, #tpu.memory_space<semaphore_mem>>) src(%dma_wait3A_233 : memref<8x?xf32, #tpu.memory_space<hbm>>) dst(%dma_wait3A_231 : memref<8x?xf32, #tpu.memory_space<vmem>>)
    %dma_wait3A_234 = arith.constant 0 : i32
    %dma_wait3A_235 = tpu.memref_slice %arg7[%dma_wait3A_234, %multiple_of3A] <%multiple_of3A_8> : memref<3x3200xf32, #tpu.memory_space<vmem>> -> memref<3x?xf32, #tpu.memory_space<vmem>>
    %dma_wait3A_236 = arith.constant 0 : i32
    %dma_wait3A_237 = tpu.memref_slice %arg3[%dma_wait3A_236, %multiple_of3A_35] <%multiple_of3A_8> : memref<3x100000xf32, #tpu.memory_space<hbm>> -> memref<3x?xf32, #tpu.memory_space<hbm>>
    %dma_wait3A_238 = arith.constant 0 : i32
    %dma_wait3A_239 = tpu.memref_slice %arg7[%dma_wait3A_238, %multiple_of3A] <%multiple_of3A_8> : memref<3x3200xf32, #tpu.memory_space<vmem>> -> memref<3x?xf32, #tpu.memory_space<vmem>>
    %dma_wait3A_240 = arith.constant 0 : i32
    %dma_wait3A_241 = tpu.memref_slice %arg3[%dma_wait3A_240, %multiple_of3A_35] <%multiple_of3A_8> : memref<3x100000xf32, #tpu.memory_space<hbm>> -> memref<3x?xf32, #tpu.memory_space<hbm>>
    tpu.wait_dma2 semaphore(%arg14 : memref<!tpu.dma_semaphore, #tpu.memory_space<semaphore_mem>>) src(%dma_wait3A_241 : memref<3x?xf32, #tpu.memory_space<hbm>>) dst(%dma_wait3A_239 : memref<3x?xf32, #tpu.memory_space<vmem>>)
    %dma_wait3A_242 = tpu.memref_slice %arg8[%multiple_of3A] <%multiple_of3A_8> : memref<3200xi32, #tpu.memory_space<vmem>> -> memref<?xi32, #tpu.memory_space<vmem>>
    %dma_wait3A_243 = tpu.memref_slice %arg4[%multiple_of3A_35] <%multiple_of3A_8> : memref<100000xi32, #tpu.memory_space<hbm>> -> memref<?xi32, #tpu.memory_space<hbm>>
    %dma_wait3A_244 = tpu.memref_slice %arg8[%multiple_of3A] <%multiple_of3A_8> : memref<3200xi32, #tpu.memory_space<vmem>> -> memref<?xi32, #tpu.memory_space<vmem>>
    %dma_wait3A_245 = tpu.memref_slice %arg4[%multiple_of3A_35] <%multiple_of3A_8> : memref<100000xi32, #tpu.memory_space<hbm>> -> memref<?xi32, #tpu.memory_space<hbm>>
    tpu.wait_dma2 semaphore(%arg14 : memref<!tpu.dma_semaphore, #tpu.memory_space<semaphore_mem>>) src(%dma_wait3A_245 : memref<?xi32, #tpu.memory_space<hbm>>) dst(%dma_wait3A_244 : memref<?xi32, #tpu.memory_space<vmem>>)
    %while3A_246 = arith.constant 0 : i32
    %while3A_247 = arith.subi %select_n3A_61, %select_n3A_58 : i32
    %while3A_248 = arith.addi %select_n3A_58, %while3A_247 : i32
    %while3A_249 = arith.constant 1 : i32
    %while3A_250 = arith.divsi %while3A_247, %while3A_249 : i32
    %while3A_251 = arith.muli %while3A_250, %while3A_249 : i32
    %while3A_252 = arith.addi %select_n3A_58, %while3A_251 : i32
    %while3A_253 = arith.constant 1 : i32
    scf.for %while3A_257 = %select_n3A_58 to %while3A_252 step %while3A_253  : i32 {
      %mul3A_258 = arith.constant 16 : i32
      %mul3A_259 = arith.muli %while3A_257, %mul3A_258 : i32
      %get3A = arith.index_cast %mul3A_259 : i32 to index
      %get3A_260 = tpu.vector_load %arg8[%get3A] {strides = array<i32>} : memref<3200xi32, #tpu.memory_space<vmem>>, vector<16xi32>,
      %get3A_261 = arith.constant 3 : i32
      %get3A_262 = arith.index_cast %get3A_261 : i32 to index
      %get3A_263 = arith.index_cast %mul3A_259 : i32 to index
      %get3A_264 = tpu.vector_load %arg6[%get3A_262, %get3A_263] {strides = array<i32>} : memref<8x3200xf32, #tpu.memory_space<vmem>>, vector<16xf32>,
      %get3A_265 = arith.constant 4 : i32
      %get3A_266 = arith.index_cast %get3A_265 : i32 to index
      %get3A_267 = arith.index_cast %mul3A_259 : i32 to index
      %get3A_268 = tpu.vector_load %arg6[%get3A_266, %get3A_267] {strides = array<i32>} : memref<8x3200xf32, #tpu.memory_space<vmem>>, vector<16xf32>,
      %get3A_269 = arith.constant 5 : i32
      %get3A_270 = arith.index_cast %get3A_269 : i32 to index
      %get3A_271 = arith.index_cast %mul3A_259 : i32 to index
      %get3A_272 = tpu.vector_load %arg6[%get3A_270, %get3A_271] {strides = array<i32>} : memref<8x3200xf32, #tpu.memory_space<vmem>>, vector<16xf32>,
      %get3A_273 = arith.constant 6 : i32
      %get3A_274 = arith.index_cast %get3A_273 : i32 to index
      %get3A_275 = arith.index_cast %mul3A_259 : i32 to index
      %get3A_276 = tpu.vector_load %arg6[%get3A_274, %get3A_275] {strides = array<i32>} : memref<8x3200xf32, #tpu.memory_space<vmem>>, vector<16xf32>,
      %gt3A = arith.cmpf ogt, %get3A_268, %get3A_264 : vector<16xf32>
      %ge3A = arith.cmpf oge, %get3A_268, %get3A_272 : vector<16xf32>
      %and3A = arith.andi %gt3A, %ge3A : vector<16xi1>
      %ge3A_277 = arith.cmpf oge, %get3A_268, %get3A_276 : vector<16xf32>
      %and3A_278 = arith.andi %and3A, %ge3A_277 : vector<16xi1>
      %get3A_279 = arith.constant 0 : i32
      %get3A_280 = arith.index_cast %get3A_279 : i32 to index
      %get3A_281 = arith.index_cast %mul3A_259 : i32 to index
      %get3A_282 = tpu.vector_load %arg7[%get3A_280, %get3A_281] {strides = array<i32>} : memref<3x3200xf32, #tpu.memory_space<vmem>>, vector<16xf32>,
      %get3A_283 = arith.constant 1 : i32
      %get3A_284 = arith.index_cast %get3A_283 : i32 to index
      %get3A_285 = arith.index_cast %mul3A_259 : i32 to index
      %get3A_286 = tpu.vector_load %arg7[%get3A_284, %get3A_285] {strides = array<i32>} : memref<3x3200xf32, #tpu.memory_space<vmem>>, vector<16xf32>,
      %get3A_287 = arith.constant 2 : i32
      %get3A_288 = arith.index_cast %get3A_287 : i32 to index
      %get3A_289 = arith.index_cast %mul3A_259 : i32 to index
      %get3A_290 = tpu.vector_load %arg7[%get3A_288, %get3A_289] {strides = array<i32>} : memref<3x3200xf32, #tpu.memory_space<vmem>>, vector<16xf32>,
      tpu.vector_store_idx %arg9[%get3A_260], %broadcast_in_dim3A_191 masked %and3A_278 {add = true} : memref<1024xf32, #tpu.memory_space<vmem>>[vector<16xi32>], vector<16xf32>, vector<16xi1>
      %add3A_291 = arith.constant 256 : i32
      %add3A_292 = vector.broadcast %add3A_291 : i32 to vector<16xi32>
      %add3A_293 = arith.addi %get3A_260, %add3A_292 : vector<16xi32>
      tpu.vector_store_idx %arg9[%add3A_293], %get3A_282 masked %and3A_278 {add = true} : memref<1024xf32, #tpu.memory_space<vmem>>[vector<16xi32>], vector<16xf32>, vector<16xi1>
      %add3A_294 = arith.constant 512 : i32
      %add3A_295 = vector.broadcast %add3A_294 : i32 to vector<16xi32>
      %add3A_296 = arith.addi %get3A_260, %add3A_295 : vector<16xi32>
      tpu.vector_store_idx %arg9[%add3A_296], %get3A_286 masked %and3A_278 {add = true} : memref<1024xf32, #tpu.memory_space<vmem>>[vector<16xi32>], vector<16xf32>, vector<16xi1>
      %add3A_297 = arith.constant 768 : i32
      %add3A_298 = vector.broadcast %add3A_297 : i32 to vector<16xi32>
      %add3A_299 = arith.addi %get3A_260, %add3A_298 : vector<16xi32>
      tpu.vector_store_idx %arg9[%add3A_299], %get3A_290 masked %and3A_278 {add = true} : memref<1024xf32, #tpu.memory_space<vmem>>[vector<16xi32>], vector<16xf32>, vector<16xi1>
    }
    %while3A_254 = arith.constant 1 : i32
    scf.for %while3A_257 = %while3A_252 to %while3A_248 step %while3A_254  : i32 {
      %mul3A_258 = arith.constant 16 : i32
      %mul3A_259 = arith.muli %while3A_257, %mul3A_258 : i32
      %get3A = arith.index_cast %mul3A_259 : i32 to index
      %get3A_260 = tpu.vector_load %arg8[%get3A] {strides = array<i32>} : memref<3200xi32, #tpu.memory_space<vmem>>, vector<16xi32>,
      %get3A_261 = arith.constant 3 : i32
      %get3A_262 = arith.index_cast %get3A_261 : i32 to index
      %get3A_263 = arith.index_cast %mul3A_259 : i32 to index
      %get3A_264 = tpu.vector_load %arg6[%get3A_262, %get3A_263] {strides = array<i32>} : memref<8x3200xf32, #tpu.memory_space<vmem>>, vector<16xf32>,
      %get3A_265 = arith.constant 4 : i32
      %get3A_266 = arith.index_cast %get3A_265 : i32 to index
      %get3A_267 = arith.index_cast %mul3A_259 : i32 to index
      %get3A_268 = tpu.vector_load %arg6[%get3A_266, %get3A_267] {strides = array<i32>} : memref<8x3200xf32, #tpu.memory_space<vmem>>, vector<16xf32>,
      %get3A_269 = arith.constant 5 : i32
      %get3A_270 = arith.index_cast %get3A_269 : i32 to index
      %get3A_271 = arith.index_cast %mul3A_259 : i32 to index
      %get3A_272 = tpu.vector_load %arg6[%get3A_270, %get3A_271] {strides = array<i32>} : memref<8x3200xf32, #tpu.memory_space<vmem>>, vector<16xf32>,
      %get3A_273 = arith.constant 6 : i32
      %get3A_274 = arith.index_cast %get3A_273 : i32 to index
      %get3A_275 = arith.index_cast %mul3A_259 : i32 to index
      %get3A_276 = tpu.vector_load %arg6[%get3A_274, %get3A_275] {strides = array<i32>} : memref<8x3200xf32, #tpu.memory_space<vmem>>, vector<16xf32>,
      %gt3A = arith.cmpf ogt, %get3A_268, %get3A_264 : vector<16xf32>
      %ge3A = arith.cmpf oge, %get3A_268, %get3A_272 : vector<16xf32>
      %and3A = arith.andi %gt3A, %ge3A : vector<16xi1>
      %ge3A_277 = arith.cmpf oge, %get3A_268, %get3A_276 : vector<16xf32>
      %and3A_278 = arith.andi %and3A, %ge3A_277 : vector<16xi1>
      %get3A_279 = arith.constant 0 : i32
      %get3A_280 = arith.index_cast %get3A_279 : i32 to index
      %get3A_281 = arith.index_cast %mul3A_259 : i32 to index
      %get3A_282 = tpu.vector_load %arg7[%get3A_280, %get3A_281] {strides = array<i32>} : memref<3x3200xf32, #tpu.memory_space<vmem>>, vector<16xf32>,
      %get3A_283 = arith.constant 1 : i32
      %get3A_284 = arith.index_cast %get3A_283 : i32 to index
      %get3A_285 = arith.index_cast %mul3A_259 : i32 to index
      %get3A_286 = tpu.vector_load %arg7[%get3A_284, %get3A_285] {strides = array<i32>} : memref<3x3200xf32, #tpu.memory_space<vmem>>, vector<16xf32>,
      %get3A_287 = arith.constant 2 : i32
      %get3A_288 = arith.index_cast %get3A_287 : i32 to index
      %get3A_289 = arith.index_cast %mul3A_259 : i32 to index
      %get3A_290 = tpu.vector_load %arg7[%get3A_288, %get3A_289] {strides = array<i32>} : memref<3x3200xf32, #tpu.memory_space<vmem>>, vector<16xf32>,
      tpu.vector_store_idx %arg9[%get3A_260], %broadcast_in_dim3A_191 masked %and3A_278 {add = true} : memref<1024xf32, #tpu.memory_space<vmem>>[vector<16xi32>], vector<16xf32>, vector<16xi1>
      %add3A_291 = arith.constant 256 : i32
      %add3A_292 = vector.broadcast %add3A_291 : i32 to vector<16xi32>
      %add3A_293 = arith.addi %get3A_260, %add3A_292 : vector<16xi32>
      tpu.vector_store_idx %arg9[%add3A_293], %get3A_282 masked %and3A_278 {add = true} : memref<1024xf32, #tpu.memory_space<vmem>>[vector<16xi32>], vector<16xf32>, vector<16xi1>
      %add3A_294 = arith.constant 512 : i32
      %add3A_295 = vector.broadcast %add3A_294 : i32 to vector<16xi32>
      %add3A_296 = arith.addi %get3A_260, %add3A_295 : vector<16xi32>
      tpu.vector_store_idx %arg9[%add3A_296], %get3A_286 masked %and3A_278 {add = true} : memref<1024xf32, #tpu.memory_space<vmem>>[vector<16xi32>], vector<16xf32>, vector<16xi1>
      %add3A_297 = arith.constant 768 : i32
      %add3A_298 = vector.broadcast %add3A_297 : i32 to vector<16xi32>
      %add3A_299 = arith.addi %get3A_260, %add3A_298 : vector<16xi32>
      tpu.vector_store_idx %arg9[%add3A_299], %get3A_290 masked %and3A_278 {add = true} : memref<1024xf32, #tpu.memory_space<vmem>>[vector<16xi32>], vector<16xf32>, vector<16xi1>
    }
    "tpu.region"() ({
      %run_scoped3A = tpu.sem_alloc : memref<!tpu.dma_semaphore, #tpu.memory_space<semaphore_mem>>
      %dma_start3A_257 = arith.constant 0 : i32
      %dma_start3A_258 = tpu.memref_slice %arg12[%arg1, %dma_start3A_257] : memref<16x1024xf32, #tpu.memory_space<vmem_shared>> -> memref<1x1024xf32, #tpu.memory_space<vmem_shared>>
      %dma_start3A_259 = tpu.memref_squeeze %dma_start3A_258 : memref<1x1024xf32, #tpu.memory_space<vmem_shared>> -> memref<1024xf32, #tpu.memory_space<vmem_shared>>
      %dma_start3A_260 = arith.constant 0 : i32
      %dma_start3A_261 = tpu.memref_slice %arg12[%arg1, %dma_start3A_260] : memref<16x1024xf32, #tpu.memory_space<vmem_shared>> -> memref<1x1024xf32, #tpu.memory_space<vmem_shared>>
      %dma_start3A_262 = tpu.memref_squeeze %dma_start3A_261 : memref<1x1024xf32, #tpu.memory_space<vmem_shared>> -> memref<1024xf32, #tpu.memory_space<vmem_shared>>
      tpu.enqueue_dma source(%arg9 : memref<1024xf32, #tpu.memory_space<vmem>>) target(%dma_start3A_262 : memref<1024xf32, #tpu.memory_space<vmem_shared>>) target_semaphore(%run_scoped3A : memref<!tpu.dma_semaphore, #tpu.memory_space<semaphore_mem>>)
      %dma_wait3A_263 = arith.constant 0 : i32
      %dma_wait3A_264 = tpu.memref_slice %arg12[%arg1, %dma_wait3A_263] : memref<16x1024xf32, #tpu.memory_space<vmem_shared>> -> memref<1x1024xf32, #tpu.memory_space<vmem_shared>>
      %dma_wait3A_265 = tpu.memref_squeeze %dma_wait3A_264 : memref<1x1024xf32, #tpu.memory_space<vmem_shared>> -> memref<1024xf32, #tpu.memory_space<vmem_shared>>
      %dma_wait3A_266 = arith.constant 0 : i32
      %dma_wait3A_267 = tpu.memref_slice %arg12[%arg1, %dma_wait3A_266] : memref<16x1024xf32, #tpu.memory_space<vmem_shared>> -> memref<1x1024xf32, #tpu.memory_space<vmem_shared>>
      %dma_wait3A_268 = tpu.memref_squeeze %dma_wait3A_267 : memref<1x1024xf32, #tpu.memory_space<vmem_shared>> -> memref<1024xf32, #tpu.memory_space<vmem_shared>>
      tpu.wait_dma2 semaphore(%run_scoped3A : memref<!tpu.dma_semaphore, #tpu.memory_space<semaphore_mem>>) src(%arg9 : memref<1024xf32, #tpu.memory_space<vmem>>) dst(%dma_wait3A_268 : memref<1024xf32, #tpu.memory_space<vmem_shared>>)
      tpu.yield
    }) : () -> ()
    %barrier3A = arith.constant 0 : index
    tpu.barrier barrier_id(%barrier3A)
    %lt3A = arith.constant 8 : i32
    %lt3A_255 = arith.cmpi slt, %arg1, %lt3A : i32
    %convert_element_type3A = arith.extui %lt3A_255 : i1 to i32
    %cond3A = arith.constant 0 : i32
    %cond3A_256 = arith.cmpi ne, %convert_element_type3A, %cond3A : i32
    scf.if %cond3A_256 {
      %mul3A_257 = arith.constant 128 : i32
      %mul3A_258 = arith.muli %arg1, %mul3A_257 : i32
      "tpu.region"() ({
        %run_scoped3A = tpu.sem_alloc : memref<!tpu.dma_semaphore, #tpu.memory_space<semaphore_mem>>
        %dma_start3A_906 = arith.constant 0 : i32
        %dma_start3A_907 = tpu.memref_slice %arg12[%dma_start3A_906, %mul3A_258] : memref<16x1024xf32, #tpu.memory_space<vmem_shared>> -> memref<16x128xf32, #tpu.memory_space<vmem_shared>>
        %dma_start3A_908 = arith.constant 0 : i32
        %dma_start3A_909 = tpu.memref_slice %arg12[%dma_start3A_908, %mul3A_258] : memref<16x1024xf32, #tpu.memory_space<vmem_shared>> -> memref<16x128xf32, #tpu.memory_space<vmem_shared>>
        tpu.enqueue_dma source(%dma_start3A_909 : memref<16x128xf32, #tpu.memory_space<vmem_shared>>) target(%arg10 : memref<16x128xf32, #tpu.memory_space<vmem>>) target_semaphore(%run_scoped3A : memref<!tpu.dma_semaphore, #tpu.memory_space<semaphore_mem>>)
        %dma_wait3A_910 = arith.constant 0 : i32
        %dma_wait3A_911 = tpu.memref_slice %arg12[%dma_wait3A_910, %mul3A_258] : memref<16x1024xf32, #tpu.memory_space<vmem_shared>> -> memref<16x128xf32, #tpu.memory_space<vmem_shared>>
        %dma_wait3A_912 = arith.constant 0 : i32
        %dma_wait3A_913 = tpu.memref_slice %arg12[%dma_wait3A_912, %mul3A_258] : memref<16x1024xf32, #tpu.memory_space<vmem_shared>> -> memref<16x128xf32, #tpu.memory_space<vmem_shared>>
        tpu.wait_dma2 semaphore(%run_scoped3A : memref<!tpu.dma_semaphore, #tpu.memory_space<semaphore_mem>>) src(%dma_wait3A_913 : memref<16x128xf32, #tpu.memory_space<vmem_shared>>) dst(%arg10 : memref<16x128xf32, #tpu.memory_space<vmem>>)
        tpu.yield
      }) : () -> ()
      %get3A = arith.constant 0 : i32
      %get3A_259 = arith.index_cast %get3A : i32 to index
      %get3A_260 = arith.constant 0 : index
      %get3A_261 = tpu.vector_load %arg10[%get3A_259, %get3A_260] {strides = array<i32>} : memref<16x128xf32, #tpu.memory_space<vmem>>, vector<16xf32>,
      %get3A_262 = arith.constant 1 : i32
      %get3A_263 = arith.index_cast %get3A_262 : i32 to index
      %get3A_264 = arith.constant 0 : index
      %get3A_265 = tpu.vector_load %arg10[%get3A_263, %get3A_264] {strides = array<i32>} : memref<16x128xf32, #tpu.memory_space<vmem>>, vector<16xf32>,
      %add3A_266 = arith.addf %get3A_261, %get3A_265 : vector<16xf32>
      %get3A_267 = arith.constant 2 : i32
      %get3A_268 = arith.index_cast %get3A_267 : i32 to index
      %get3A_269 = arith.constant 0 : index
      %get3A_270 = tpu.vector_load %arg10[%get3A_268, %get3A_269] {strides = array<i32>} : memref<16x128xf32, #tpu.memory_space<vmem>>, vector<16xf32>,
      %add3A_271 = arith.addf %add3A_266, %get3A_270 : vector<16xf32>
      %get3A_272 = arith.constant 3 : i32
      %get3A_273 = arith.index_cast %get3A_272 : i32 to index
      %get3A_274 = arith.constant 0 : index
      %get3A_275 = tpu.vector_load %arg10[%get3A_273, %get3A_274] {strides = array<i32>} : memref<16x128xf32, #tpu.memory_space<vmem>>, vector<16xf32>,
      %add3A_276 = arith.addf %add3A_271, %get3A_275 : vector<16xf32>
      %get3A_277 = arith.constant 4 : i32
      %get3A_278 = arith.index_cast %get3A_277 : i32 to index
      %get3A_279 = arith.constant 0 : index
      %get3A_280 = tpu.vector_load %arg10[%get3A_278, %get3A_279] {strides = array<i32>} : memref<16x128xf32, #tpu.memory_space<vmem>>, vector<16xf32>,
      %add3A_281 = arith.addf %add3A_276, %get3A_280 : vector<16xf32>
      %get3A_282 = arith.constant 5 : i32
      %get3A_283 = arith.index_cast %get3A_282 : i32 to index
      %get3A_284 = arith.constant 0 : index
      %get3A_285 = tpu.vector_load %arg10[%get3A_283, %get3A_284] {strides = array<i32>} : memref<16x128xf32, #tpu.memory_space<vmem>>, vector<16xf32>,
      %add3A_286 = arith.addf %add3A_281, %get3A_285 : vector<16xf32>
      %get3A_287 = arith.constant 6 : i32
      %get3A_288 = arith.index_cast %get3A_287 : i32 to index
      %get3A_289 = arith.constant 0 : index
      %get3A_290 = tpu.vector_load %arg10[%get3A_288, %get3A_289] {strides = array<i32>} : memref<16x128xf32, #tpu.memory_space<vmem>>, vector<16xf32>,
      %add3A_291 = arith.addf %add3A_286, %get3A_290 : vector<16xf32>
      %get3A_292 = arith.constant 7 : i32
      %get3A_293 = arith.index_cast %get3A_292 : i32 to index
      %get3A_294 = arith.constant 0 : index
      %get3A_295 = tpu.vector_load %arg10[%get3A_293, %get3A_294] {strides = array<i32>} : memref<16x128xf32, #tpu.memory_space<vmem>>, vector<16xf32>,
      %add3A_296 = arith.addf %add3A_291, %get3A_295 : vector<16xf32>
      %get3A_297 = arith.constant 8 : i32
      %get3A_298 = arith.index_cast %get3A_297 : i32 to index
      %get3A_299 = arith.constant 0 : index
      %get3A_300 = tpu.vector_load %arg10[%get3A_298, %get3A_299] {strides = array<i32>} : memref<16x128xf32, #tpu.memory_space<vmem>>, vector<16xf32>,
      %add3A_301 = arith.addf %add3A_296, %get3A_300 : vector<16xf32>
      %get3A_302 = arith.constant 9 : i32
      %get3A_303 = arith.index_cast %get3A_302 : i32 to index
      %get3A_304 = arith.constant 0 : index
      %get3A_305 = tpu.vector_load %arg10[%get3A_303, %get3A_304] {strides = array<i32>} : memref<16x128xf32, #tpu.memory_space<vmem>>, vector<16xf32>,
      %add3A_306 = arith.addf %add3A_301, %get3A_305 : vector<16xf32>
      %get3A_307 = arith.constant 10 : i32
      %get3A_308 = arith.index_cast %get3A_307 : i32 to index
      %get3A_309 = arith.constant 0 : index
      %get3A_310 = tpu.vector_load %arg10[%get3A_308, %get3A_309] {strides = array<i32>} : memref<16x128xf32, #tpu.memory_space<vmem>>, vector<16xf32>,
      %add3A_311 = arith.addf %add3A_306, %get3A_310 : vector<16xf32>
      %get3A_312 = arith.constant 11 : i32
      %get3A_313 = arith.index_cast %get3A_312 : i32 to index
      %get3A_314 = arith.constant 0 : index
      %get3A_315 = tpu.vector_load %arg10[%get3A_313, %get3A_314] {strides = array<i32>} : memref<16x128xf32, #tpu.memory_space<vmem>>, vector<16xf32>,
      %add3A_316 = arith.addf %add3A_311, %get3A_315 : vector<16xf32>
      %get3A_317 = arith.constant 12 : i32
      %get3A_318 = arith.index_cast %get3A_317 : i32 to index
      %get3A_319 = arith.constant 0 : index
      %get3A_320 = tpu.vector_load %arg10[%get3A_318, %get3A_319] {strides = array<i32>} : memref<16x128xf32, #tpu.memory_space<vmem>>, vector<16xf32>,
      %add3A_321 = arith.addf %add3A_316, %get3A_320 : vector<16xf32>
      %get3A_322 = arith.constant 13 : i32
      %get3A_323 = arith.index_cast %get3A_322 : i32 to index
      %get3A_324 = arith.constant 0 : index
      %get3A_325 = tpu.vector_load %arg10[%get3A_323, %get3A_324] {strides = array<i32>} : memref<16x128xf32, #tpu.memory_space<vmem>>, vector<16xf32>,
      %add3A_326 = arith.addf %add3A_321, %get3A_325 : vector<16xf32>
      %get3A_327 = arith.constant 14 : i32
      %get3A_328 = arith.index_cast %get3A_327 : i32 to index
      %get3A_329 = arith.constant 0 : index
      %get3A_330 = tpu.vector_load %arg10[%get3A_328, %get3A_329] {strides = array<i32>} : memref<16x128xf32, #tpu.memory_space<vmem>>, vector<16xf32>,
      %add3A_331 = arith.addf %add3A_326, %get3A_330 : vector<16xf32>
      %get3A_332 = arith.constant 15 : i32
      %get3A_333 = arith.index_cast %get3A_332 : i32 to index
      %get3A_334 = arith.constant 0 : index
      %get3A_335 = tpu.vector_load %arg10[%get3A_333, %get3A_334] {strides = array<i32>} : memref<16x128xf32, #tpu.memory_space<vmem>>, vector<16xf32>,
      %add3A_336 = arith.addf %add3A_331, %get3A_335 : vector<16xf32>
      %swap3A_337 = arith.constant 0 : index
      %swap3A_338 = tpu.vector_load %arg11[%swap3A_337] {strides = array<i32>} : memref<128xf32, #tpu.memory_space<vmem>>, vector<16xf32>,
      tpu.vector_store %arg11[%swap3A_337], %add3A_336 {strides = array<i32>} : memref<128xf32, #tpu.memory_space<vmem>>, vector<16xf32>,
      %get3A_339 = arith.constant 0 : i32
      %get3A_340 = arith.index_cast %get3A_339 : i32 to index
      %get3A_341 = arith.constant 16 : index
      %get3A_342 = tpu.vector_load %arg10[%get3A_340, %get3A_341] {strides = array<i32>} : memref<16x128xf32, #tpu.memory_space<vmem>>, vector<16xf32>,
      %get3A_343 = arith.constant 1 : i32
      %get3A_344 = arith.index_cast %get3A_343 : i32 to index
      %get3A_345 = arith.constant 16 : index
      %get3A_346 = tpu.vector_load %arg10[%get3A_344, %get3A_345] {strides = array<i32>} : memref<16x128xf32, #tpu.memory_space<vmem>>, vector<16xf32>,
      %add3A_347 = arith.addf %get3A_342, %get3A_346 : vector<16xf32>
      %get3A_348 = arith.constant 2 : i32
      %get3A_349 = arith.index_cast %get3A_348 : i32 to index
      %get3A_350 = arith.constant 16 : index
      %get3A_351 = tpu.vector_load %arg10[%get3A_349, %get3A_350] {strides = array<i32>} : memref<16x128xf32, #tpu.memory_space<vmem>>, vector<16xf32>,
      %add3A_352 = arith.addf %add3A_347, %get3A_351 : vector<16xf32>
      %get3A_353 = arith.constant 3 : i32
      %get3A_354 = arith.index_cast %get3A_353 : i32 to index
      %get3A_355 = arith.constant 16 : index
      %get3A_356 = tpu.vector_load %arg10[%get3A_354, %get3A_355] {strides = array<i32>} : memref<16x128xf32, #tpu.memory_space<vmem>>, vector<16xf32>,
      %add3A_357 = arith.addf %add3A_352, %get3A_356 : vector<16xf32>
      %get3A_358 = arith.constant 4 : i32
      %get3A_359 = arith.index_cast %get3A_358 : i32 to index
      %get3A_360 = arith.constant 16 : index
      %get3A_361 = tpu.vector_load %arg10[%get3A_359, %get3A_360] {strides = array<i32>} : memref<16x128xf32, #tpu.memory_space<vmem>>, vector<16xf32>,
      %add3A_362 = arith.addf %add3A_357, %get3A_361 : vector<16xf32>
      %get3A_363 = arith.constant 5 : i32
      %get3A_364 = arith.index_cast %get3A_363 : i32 to index
      %get3A_365 = arith.constant 16 : index
      %get3A_366 = tpu.vector_load %arg10[%get3A_364, %get3A_365] {strides = array<i32>} : memref<16x128xf32, #tpu.memory_space<vmem>>, vector<16xf32>,
      %add3A_367 = arith.addf %add3A_362, %get3A_366 : vector<16xf32>
      %get3A_368 = arith.constant 6 : i32
      %get3A_369 = arith.index_cast %get3A_368 : i32 to index
      %get3A_370 = arith.constant 16 : index
      %get3A_371 = tpu.vector_load %arg10[%get3A_369, %get3A_370] {strides = array<i32>} : memref<16x128xf32, #tpu.memory_space<vmem>>, vector<16xf32>,
      %add3A_372 = arith.addf %add3A_367, %get3A_371 : vector<16xf32>
      %get3A_373 = arith.constant 7 : i32
      %get3A_374 = arith.index_cast %get3A_373 : i32 to index
      %get3A_375 = arith.constant 16 : index
      %get3A_376 = tpu.vector_load %arg10[%get3A_374, %get3A_375] {strides = array<i32>} : memref<16x128xf32, #tpu.memory_space<vmem>>, vector<16xf32>,
      %add3A_377 = arith.addf %add3A_372, %get3A_376 : vector<16xf32>
      %get3A_378 = arith.constant 8 : i32
      %get3A_379 = arith.index_cast %get3A_378 : i32 to index
      %get3A_380 = arith.constant 16 : index
      %get3A_381 = tpu.vector_load %arg10[%get3A_379, %get3A_380] {strides = array<i32>} : memref<16x128xf32, #tpu.memory_space<vmem>>, vector<16xf32>,
      %add3A_382 = arith.addf %add3A_377, %get3A_381 : vector<16xf32>
      %get3A_383 = arith.constant 9 : i32
      %get3A_384 = arith.index_cast %get3A_383 : i32 to index
      %get3A_385 = arith.constant 16 : index
      %get3A_386 = tpu.vector_load %arg10[%get3A_384, %get3A_385] {strides = array<i32>} : memref<16x128xf32, #tpu.memory_space<vmem>>, vector<16xf32>,
      %add3A_387 = arith.addf %add3A_382, %get3A_386 : vector<16xf32>
      %get3A_388 = arith.constant 10 : i32
      %get3A_389 = arith.index_cast %get3A_388 : i32 to index
      %get3A_390 = arith.constant 16 : index
      %get3A_391 = tpu.vector_load %arg10[%get3A_389, %get3A_390] {strides = array<i32>} : memref<16x128xf32, #tpu.memory_space<vmem>>, vector<16xf32>,
      %add3A_392 = arith.addf %add3A_387, %get3A_391 : vector<16xf32>
      %get3A_393 = arith.constant 11 : i32
      %get3A_394 = arith.index_cast %get3A_393 : i32 to index
      %get3A_395 = arith.constant 16 : index
      %get3A_396 = tpu.vector_load %arg10[%get3A_394, %get3A_395] {strides = array<i32>} : memref<16x128xf32, #tpu.memory_space<vmem>>, vector<16xf32>,
      %add3A_397 = arith.addf %add3A_392, %get3A_396 : vector<16xf32>
      %get3A_398 = arith.constant 12 : i32
      %get3A_399 = arith.index_cast %get3A_398 : i32 to index
      %get3A_400 = arith.constant 16 : index
      %get3A_401 = tpu.vector_load %arg10[%get3A_399, %get3A_400] {strides = array<i32>} : memref<16x128xf32, #tpu.memory_space<vmem>>, vector<16xf32>,
      %add3A_402 = arith.addf %add3A_397, %get3A_401 : vector<16xf32>
      %get3A_403 = arith.constant 13 : i32
      %get3A_404 = arith.index_cast %get3A_403 : i32 to index
      %get3A_405 = arith.constant 16 : index
      %get3A_406 = tpu.vector_load %arg10[%get3A_404, %get3A_405] {strides = array<i32>} : memref<16x128xf32, #tpu.memory_space<vmem>>, vector<16xf32>,
      %add3A_407 = arith.addf %add3A_402, %get3A_406 : vector<16xf32>
      %get3A_408 = arith.constant 14 : i32
      %get3A_409 = arith.index_cast %get3A_408 : i32 to index
      %get3A_410 = arith.constant 16 : index
      %get3A_411 = tpu.vector_load %arg10[%get3A_409, %get3A_410] {strides = array<i32>} : memref<16x128xf32, #tpu.memory_space<vmem>>, vector<16xf32>,
      %add3A_412 = arith.addf %add3A_407, %get3A_411 : vector<16xf32>
      %get3A_413 = arith.constant 15 : i32
      %get3A_414 = arith.index_cast %get3A_413 : i32 to index
      %get3A_415 = arith.constant 16 : index
      %get3A_416 = tpu.vector_load %arg10[%get3A_414, %get3A_415] {strides = array<i32>} : memref<16x128xf32, #tpu.memory_space<vmem>>, vector<16xf32>,
      %add3A_417 = arith.addf %add3A_412, %get3A_416 : vector<16xf32>
      %swap3A_418 = arith.constant 16 : index
      %swap3A_419 = tpu.vector_load %arg11[%swap3A_418] {strides = array<i32>} : memref<128xf32, #tpu.memory_space<vmem>>, vector<16xf32>,
      tpu.vector_store %arg11[%swap3A_418], %add3A_417 {strides = array<i32>} : memref<128xf32, #tpu.memory_space<vmem>>, vector<16xf32>,
      %get3A_420 = arith.constant 0 : i32
      %get3A_421 = arith.index_cast %get3A_420 : i32 to index
      %get3A_422 = arith.constant 32 : index
      %get3A_423 = tpu.vector_load %arg10[%get3A_421, %get3A_422] {strides = array<i32>} : memref<16x128xf32, #tpu.memory_space<vmem>>, vector<16xf32>,
      %get3A_424 = arith.constant 1 : i32
      %get3A_425 = arith.index_cast %get3A_424 : i32 to index
      %get3A_426 = arith.constant 32 : index
      %get3A_427 = tpu.vector_load %arg10[%get3A_425, %get3A_426] {strides = array<i32>} : memref<16x128xf32, #tpu.memory_space<vmem>>, vector<16xf32>,
      %add3A_428 = arith.addf %get3A_423, %get3A_427 : vector<16xf32>
      %get3A_429 = arith.constant 2 : i32
      %get3A_430 = arith.index_cast %get3A_429 : i32 to index
      %get3A_431 = arith.constant 32 : index
      %get3A_432 = tpu.vector_load %arg10[%get3A_430, %get3A_431] {strides = array<i32>} : memref<16x128xf32, #tpu.memory_space<vmem>>, vector<16xf32>,
      %add3A_433 = arith.addf %add3A_428, %get3A_432 : vector<16xf32>
      %get3A_434 = arith.constant 3 : i32
      %get3A_435 = arith.index_cast %get3A_434 : i32 to index
      %get3A_436 = arith.constant 32 : index
      %get3A_437 = tpu.vector_load %arg10[%get3A_435, %get3A_436] {strides = array<i32>} : memref<16x128xf32, #tpu.memory_space<vmem>>, vector<16xf32>,
      %add3A_438 = arith.addf %add3A_433, %get3A_437 : vector<16xf32>
      %get3A_439 = arith.constant 4 : i32
      %get3A_440 = arith.index_cast %get3A_439 : i32 to index
      %get3A_441 = arith.constant 32 : index
      %get3A_442 = tpu.vector_load %arg10[%get3A_440, %get3A_441] {strides = array<i32>} : memref<16x128xf32, #tpu.memory_space<vmem>>, vector<16xf32>,
      %add3A_443 = arith.addf %add3A_438, %get3A_442 : vector<16xf32>
      %get3A_444 = arith.constant 5 : i32
      %get3A_445 = arith.index_cast %get3A_444 : i32 to index
      %get3A_446 = arith.constant 32 : index
      %get3A_447 = tpu.vector_load %arg10[%get3A_445, %get3A_446] {strides = array<i32>} : memref<16x128xf32, #tpu.memory_space<vmem>>, vector<16xf32>,
      %add3A_448 = arith.addf %add3A_443, %get3A_447 : vector<16xf32>
      %get3A_449 = arith.constant 6 : i32
      %get3A_450 = arith.index_cast %get3A_449 : i32 to index
      %get3A_451 = arith.constant 32 : index
      %get3A_452 = tpu.vector_load %arg10[%get3A_450, %get3A_451] {strides = array<i32>} : memref<16x128xf32, #tpu.memory_space<vmem>>, vector<16xf32>,
      %add3A_453 = arith.addf %add3A_448, %get3A_452 : vector<16xf32>
      %get3A_454 = arith.constant 7 : i32
      %get3A_455 = arith.index_cast %get3A_454 : i32 to index
      %get3A_456 = arith.constant 32 : index
      %get3A_457 = tpu.vector_load %arg10[%get3A_455, %get3A_456] {strides = array<i32>} : memref<16x128xf32, #tpu.memory_space<vmem>>, vector<16xf32>,
      %add3A_458 = arith.addf %add3A_453, %get3A_457 : vector<16xf32>
      %get3A_459 = arith.constant 8 : i32
      %get3A_460 = arith.index_cast %get3A_459 : i32 to index
      %get3A_461 = arith.constant 32 : index
      %get3A_462 = tpu.vector_load %arg10[%get3A_460, %get3A_461] {strides = array<i32>} : memref<16x128xf32, #tpu.memory_space<vmem>>, vector<16xf32>,
      %add3A_463 = arith.addf %add3A_458, %get3A_462 : vector<16xf32>
      %get3A_464 = arith.constant 9 : i32
      %get3A_465 = arith.index_cast %get3A_464 : i32 to index
      %get3A_466 = arith.constant 32 : index
      %get3A_467 = tpu.vector_load %arg10[%get3A_465, %get3A_466] {strides = array<i32>} : memref<16x128xf32, #tpu.memory_space<vmem>>, vector<16xf32>,
      %add3A_468 = arith.addf %add3A_463, %get3A_467 : vector<16xf32>
      %get3A_469 = arith.constant 10 : i32
      %get3A_470 = arith.index_cast %get3A_469 : i32 to index
      %get3A_471 = arith.constant 32 : index
      %get3A_472 = tpu.vector_load %arg10[%get3A_470, %get3A_471] {strides = array<i32>} : memref<16x128xf32, #tpu.memory_space<vmem>>, vector<16xf32>,
      %add3A_473 = arith.addf %add3A_468, %get3A_472 : vector<16xf32>
      %get3A_474 = arith.constant 11 : i32
      %get3A_475 = arith.index_cast %get3A_474 : i32 to index
      %get3A_476 = arith.constant 32 : index
      %get3A_477 = tpu.vector_load %arg10[%get3A_475, %get3A_476] {strides = array<i32>} : memref<16x128xf32, #tpu.memory_space<vmem>>, vector<16xf32>,
      %add3A_478 = arith.addf %add3A_473, %get3A_477 : vector<16xf32>
      %get3A_479 = arith.constant 12 : i32
      %get3A_480 = arith.index_cast %get3A_479 : i32 to index
      %get3A_481 = arith.constant 32 : index
      %get3A_482 = tpu.vector_load %arg10[%get3A_480, %get3A_481] {strides = array<i32>} : memref<16x128xf32, #tpu.memory_space<vmem>>, vector<16xf32>,
      %add3A_483 = arith.addf %add3A_478, %get3A_482 : vector<16xf32>
      %get3A_484 = arith.constant 13 : i32
      %get3A_485 = arith.index_cast %get3A_484 : i32 to index
      %get3A_486 = arith.constant 32 : index
      %get3A_487 = tpu.vector_load %arg10[%get3A_485, %get3A_486] {strides = array<i32>} : memref<16x128xf32, #tpu.memory_space<vmem>>, vector<16xf32>,
      %add3A_488 = arith.addf %add3A_483, %get3A_487 : vector<16xf32>
      %get3A_489 = arith.constant 14 : i32
      %get3A_490 = arith.index_cast %get3A_489 : i32 to index
      %get3A_491 = arith.constant 32 : index
      %get3A_492 = tpu.vector_load %arg10[%get3A_490, %get3A_491] {strides = array<i32>} : memref<16x128xf32, #tpu.memory_space<vmem>>, vector<16xf32>,
      %add3A_493 = arith.addf %add3A_488, %get3A_492 : vector<16xf32>
      %get3A_494 = arith.constant 15 : i32
      %get3A_495 = arith.index_cast %get3A_494 : i32 to index
      %get3A_496 = arith.constant 32 : index
      %get3A_497 = tpu.vector_load %arg10[%get3A_495, %get3A_496] {strides = array<i32>} : memref<16x128xf32, #tpu.memory_space<vmem>>, vector<16xf32>,
      %add3A_498 = arith.addf %add3A_493, %get3A_497 : vector<16xf32>
      %swap3A_499 = arith.constant 32 : index
      %swap3A_500 = tpu.vector_load %arg11[%swap3A_499] {strides = array<i32>} : memref<128xf32, #tpu.memory_space<vmem>>, vector<16xf32>,
      tpu.vector_store %arg11[%swap3A_499], %add3A_498 {strides = array<i32>} : memref<128xf32, #tpu.memory_space<vmem>>, vector<16xf32>,
      %get3A_501 = arith.constant 0 : i32
      %get3A_502 = arith.index_cast %get3A_501 : i32 to index
      %get3A_503 = arith.constant 48 : index
      %get3A_504 = tpu.vector_load %arg10[%get3A_502, %get3A_503] {strides = array<i32>} : memref<16x128xf32, #tpu.memory_space<vmem>>, vector<16xf32>,
      %get3A_505 = arith.constant 1 : i32
      %get3A_506 = arith.index_cast %get3A_505 : i32 to index
      %get3A_507 = arith.constant 48 : index
      %get3A_508 = tpu.vector_load %arg10[%get3A_506, %get3A_507] {strides = array<i32>} : memref<16x128xf32, #tpu.memory_space<vmem>>, vector<16xf32>,
      %add3A_509 = arith.addf %get3A_504, %get3A_508 : vector<16xf32>
      %get3A_510 = arith.constant 2 : i32
      %get3A_511 = arith.index_cast %get3A_510 : i32 to index
      %get3A_512 = arith.constant 48 : index
      %get3A_513 = tpu.vector_load %arg10[%get3A_511, %get3A_512] {strides = array<i32>} : memref<16x128xf32, #tpu.memory_space<vmem>>, vector<16xf32>,
      %add3A_514 = arith.addf %add3A_509, %get3A_513 : vector<16xf32>
      %get3A_515 = arith.constant 3 : i32
      %get3A_516 = arith.index_cast %get3A_515 : i32 to index
      %get3A_517 = arith.constant 48 : index
      %get3A_518 = tpu.vector_load %arg10[%get3A_516, %get3A_517] {strides = array<i32>} : memref<16x128xf32, #tpu.memory_space<vmem>>, vector<16xf32>,
      %add3A_519 = arith.addf %add3A_514, %get3A_518 : vector<16xf32>
      %get3A_520 = arith.constant 4 : i32
      %get3A_521 = arith.index_cast %get3A_520 : i32 to index
      %get3A_522 = arith.constant 48 : index
      %get3A_523 = tpu.vector_load %arg10[%get3A_521, %get3A_522] {strides = array<i32>} : memref<16x128xf32, #tpu.memory_space<vmem>>, vector<16xf32>,
      %add3A_524 = arith.addf %add3A_519, %get3A_523 : vector<16xf32>
      %get3A_525 = arith.constant 5 : i32
      %get3A_526 = arith.index_cast %get3A_525 : i32 to index
      %get3A_527 = arith.constant 48 : index
      %get3A_528 = tpu.vector_load %arg10[%get3A_526, %get3A_527] {strides = array<i32>} : memref<16x128xf32, #tpu.memory_space<vmem>>, vector<16xf32>,
      %add3A_529 = arith.addf %add3A_524, %get3A_528 : vector<16xf32>
      %get3A_530 = arith.constant 6 : i32
      %get3A_531 = arith.index_cast %get3A_530 : i32 to index
      %get3A_532 = arith.constant 48 : index
      %get3A_533 = tpu.vector_load %arg10[%get3A_531, %get3A_532] {strides = array<i32>} : memref<16x128xf32, #tpu.memory_space<vmem>>, vector<16xf32>,
      %add3A_534 = arith.addf %add3A_529, %get3A_533 : vector<16xf32>
      %get3A_535 = arith.constant 7 : i32
      %get3A_536 = arith.index_cast %get3A_535 : i32 to index
      %get3A_537 = arith.constant 48 : index
      %get3A_538 = tpu.vector_load %arg10[%get3A_536, %get3A_537] {strides = array<i32>} : memref<16x128xf32, #tpu.memory_space<vmem>>, vector<16xf32>,
      %add3A_539 = arith.addf %add3A_534, %get3A_538 : vector<16xf32>
      %get3A_540 = arith.constant 8 : i32
      %get3A_541 = arith.index_cast %get3A_540 : i32 to index
      %get3A_542 = arith.constant 48 : index
      %get3A_543 = tpu.vector_load %arg10[%get3A_541, %get3A_542] {strides = array<i32>} : memref<16x128xf32, #tpu.memory_space<vmem>>, vector<16xf32>,
      %add3A_544 = arith.addf %add3A_539, %get3A_543 : vector<16xf32>
      %get3A_545 = arith.constant 9 : i32
      %get3A_546 = arith.index_cast %get3A_545 : i32 to index
      %get3A_547 = arith.constant 48 : index
      %get3A_548 = tpu.vector_load %arg10[%get3A_546, %get3A_547] {strides = array<i32>} : memref<16x128xf32, #tpu.memory_space<vmem>>, vector<16xf32>,
      %add3A_549 = arith.addf %add3A_544, %get3A_548 : vector<16xf32>
      %get3A_550 = arith.constant 10 : i32
      %get3A_551 = arith.index_cast %get3A_550 : i32 to index
      %get3A_552 = arith.constant 48 : index
      %get3A_553 = tpu.vector_load %arg10[%get3A_551, %get3A_552] {strides = array<i32>} : memref<16x128xf32, #tpu.memory_space<vmem>>, vector<16xf32>,
      %add3A_554 = arith.addf %add3A_549, %get3A_553 : vector<16xf32>
      %get3A_555 = arith.constant 11 : i32
      %get3A_556 = arith.index_cast %get3A_555 : i32 to index
      %get3A_557 = arith.constant 48 : index
      %get3A_558 = tpu.vector_load %arg10[%get3A_556, %get3A_557] {strides = array<i32>} : memref<16x128xf32, #tpu.memory_space<vmem>>, vector<16xf32>,
      %add3A_559 = arith.addf %add3A_554, %get3A_558 : vector<16xf32>
      %get3A_560 = arith.constant 12 : i32
      %get3A_561 = arith.index_cast %get3A_560 : i32 to index
      %get3A_562 = arith.constant 48 : index
      %get3A_563 = tpu.vector_load %arg10[%get3A_561, %get3A_562] {strides = array<i32>} : memref<16x128xf32, #tpu.memory_space<vmem>>, vector<16xf32>,
      %add3A_564 = arith.addf %add3A_559, %get3A_563 : vector<16xf32>
      %get3A_565 = arith.constant 13 : i32
      %get3A_566 = arith.index_cast %get3A_565 : i32 to index
      %get3A_567 = arith.constant 48 : index
      %get3A_568 = tpu.vector_load %arg10[%get3A_566, %get3A_567] {strides = array<i32>} : memref<16x128xf32, #tpu.memory_space<vmem>>, vector<16xf32>,
      %add3A_569 = arith.addf %add3A_564, %get3A_568 : vector<16xf32>
      %get3A_570 = arith.constant 14 : i32
      %get3A_571 = arith.index_cast %get3A_570 : i32 to index
      %get3A_572 = arith.constant 48 : index
      %get3A_573 = tpu.vector_load %arg10[%get3A_571, %get3A_572] {strides = array<i32>} : memref<16x128xf32, #tpu.memory_space<vmem>>, vector<16xf32>,
      %add3A_574 = arith.addf %add3A_569, %get3A_573 : vector<16xf32>
      %get3A_575 = arith.constant 15 : i32
      %get3A_576 = arith.index_cast %get3A_575 : i32 to index
      %get3A_577 = arith.constant 48 : index
      %get3A_578 = tpu.vector_load %arg10[%get3A_576, %get3A_577] {strides = array<i32>} : memref<16x128xf32, #tpu.memory_space<vmem>>, vector<16xf32>,
      %add3A_579 = arith.addf %add3A_574, %get3A_578 : vector<16xf32>
      %swap3A_580 = arith.constant 48 : index
      %swap3A_581 = tpu.vector_load %arg11[%swap3A_580] {strides = array<i32>} : memref<128xf32, #tpu.memory_space<vmem>>, vector<16xf32>,
      tpu.vector_store %arg11[%swap3A_580], %add3A_579 {strides = array<i32>} : memref<128xf32, #tpu.memory_space<vmem>>, vector<16xf32>,
      %get3A_582 = arith.constant 0 : i32
      %get3A_583 = arith.index_cast %get3A_582 : i32 to index
      %get3A_584 = arith.constant 64 : index
      %get3A_585 = tpu.vector_load %arg10[%get3A_583, %get3A_584] {strides = array<i32>} : memref<16x128xf32, #tpu.memory_space<vmem>>, vector<16xf32>,
      %get3A_586 = arith.constant 1 : i32
      %get3A_587 = arith.index_cast %get3A_586 : i32 to index
      %get3A_588 = arith.constant 64 : index
      %get3A_589 = tpu.vector_load %arg10[%get3A_587, %get3A_588] {strides = array<i32>} : memref<16x128xf32, #tpu.memory_space<vmem>>, vector<16xf32>,
      %add3A_590 = arith.addf %get3A_585, %get3A_589 : vector<16xf32>
      %get3A_591 = arith.constant 2 : i32
      %get3A_592 = arith.index_cast %get3A_591 : i32 to index
      %get3A_593 = arith.constant 64 : index
      %get3A_594 = tpu.vector_load %arg10[%get3A_592, %get3A_593] {strides = array<i32>} : memref<16x128xf32, #tpu.memory_space<vmem>>, vector<16xf32>,
      %add3A_595 = arith.addf %add3A_590, %get3A_594 : vector<16xf32>
      %get3A_596 = arith.constant 3 : i32
      %get3A_597 = arith.index_cast %get3A_596 : i32 to index
      %get3A_598 = arith.constant 64 : index
      %get3A_599 = tpu.vector_load %arg10[%get3A_597, %get3A_598] {strides = array<i32>} : memref<16x128xf32, #tpu.memory_space<vmem>>, vector<16xf32>,
      %add3A_600 = arith.addf %add3A_595, %get3A_599 : vector<16xf32>
      %get3A_601 = arith.constant 4 : i32
      %get3A_602 = arith.index_cast %get3A_601 : i32 to index
      %get3A_603 = arith.constant 64 : index
      %get3A_604 = tpu.vector_load %arg10[%get3A_602, %get3A_603] {strides = array<i32>} : memref<16x128xf32, #tpu.memory_space<vmem>>, vector<16xf32>,
      %add3A_605 = arith.addf %add3A_600, %get3A_604 : vector<16xf32>
      %get3A_606 = arith.constant 5 : i32
      %get3A_607 = arith.index_cast %get3A_606 : i32 to index
      %get3A_608 = arith.constant 64 : index
      %get3A_609 = tpu.vector_load %arg10[%get3A_607, %get3A_608] {strides = array<i32>} : memref<16x128xf32, #tpu.memory_space<vmem>>, vector<16xf32>,
      %add3A_610 = arith.addf %add3A_605, %get3A_609 : vector<16xf32>
      %get3A_611 = arith.constant 6 : i32
      %get3A_612 = arith.index_cast %get3A_611 : i32 to index
      %get3A_613 = arith.constant 64 : index
      %get3A_614 = tpu.vector_load %arg10[%get3A_612, %get3A_613] {strides = array<i32>} : memref<16x128xf32, #tpu.memory_space<vmem>>, vector<16xf32>,
      %add3A_615 = arith.addf %add3A_610, %get3A_614 : vector<16xf32>
      %get3A_616 = arith.constant 7 : i32
      %get3A_617 = arith.index_cast %get3A_616 : i32 to index
      %get3A_618 = arith.constant 64 : index
      %get3A_619 = tpu.vector_load %arg10[%get3A_617, %get3A_618] {strides = array<i32>} : memref<16x128xf32, #tpu.memory_space<vmem>>, vector<16xf32>,
      %add3A_620 = arith.addf %add3A_615, %get3A_619 : vector<16xf32>
      %get3A_621 = arith.constant 8 : i32
      %get3A_622 = arith.index_cast %get3A_621 : i32 to index
      %get3A_623 = arith.constant 64 : index
      %get3A_624 = tpu.vector_load %arg10[%get3A_622, %get3A_623] {strides = array<i32>} : memref<16x128xf32, #tpu.memory_space<vmem>>, vector<16xf32>,
      %add3A_625 = arith.addf %add3A_620, %get3A_624 : vector<16xf32>
      %get3A_626 = arith.constant 9 : i32
      %get3A_627 = arith.index_cast %get3A_626 : i32 to index
      %get3A_628 = arith.constant 64 : index
      %get3A_629 = tpu.vector_load %arg10[%get3A_627, %get3A_628] {strides = array<i32>} : memref<16x128xf32, #tpu.memory_space<vmem>>, vector<16xf32>,
      %add3A_630 = arith.addf %add3A_625, %get3A_629 : vector<16xf32>
      %get3A_631 = arith.constant 10 : i32
      %get3A_632 = arith.index_cast %get3A_631 : i32 to index
      %get3A_633 = arith.constant 64 : index
      %get3A_634 = tpu.vector_load %arg10[%get3A_632, %get3A_633] {strides = array<i32>} : memref<16x128xf32, #tpu.memory_space<vmem>>, vector<16xf32>,
      %add3A_635 = arith.addf %add3A_630, %get3A_634 : vector<16xf32>
      %get3A_636 = arith.constant 11 : i32
      %get3A_637 = arith.index_cast %get3A_636 : i32 to index
      %get3A_638 = arith.constant 64 : index
      %get3A_639 = tpu.vector_load %arg10[%get3A_637, %get3A_638] {strides = array<i32>} : memref<16x128xf32, #tpu.memory_space<vmem>>, vector<16xf32>,
      %add3A_640 = arith.addf %add3A_635, %get3A_639 : vector<16xf32>
      %get3A_641 = arith.constant 12 : i32
      %get3A_642 = arith.index_cast %get3A_641 : i32 to index
      %get3A_643 = arith.constant 64 : index
      %get3A_644 = tpu.vector_load %arg10[%get3A_642, %get3A_643] {strides = array<i32>} : memref<16x128xf32, #tpu.memory_space<vmem>>, vector<16xf32>,
      %add3A_645 = arith.addf %add3A_640, %get3A_644 : vector<16xf32>
      %get3A_646 = arith.constant 13 : i32
      %get3A_647 = arith.index_cast %get3A_646 : i32 to index
      %get3A_648 = arith.constant 64 : index
      %get3A_649 = tpu.vector_load %arg10[%get3A_647, %get3A_648] {strides = array<i32>} : memref<16x128xf32, #tpu.memory_space<vmem>>, vector<16xf32>,
      %add3A_650 = arith.addf %add3A_645, %get3A_649 : vector<16xf32>
      %get3A_651 = arith.constant 14 : i32
      %get3A_652 = arith.index_cast %get3A_651 : i32 to index
      %get3A_653 = arith.constant 64 : index
      %get3A_654 = tpu.vector_load %arg10[%get3A_652, %get3A_653] {strides = array<i32>} : memref<16x128xf32, #tpu.memory_space<vmem>>, vector<16xf32>,
      %add3A_655 = arith.addf %add3A_650, %get3A_654 : vector<16xf32>
      %get3A_656 = arith.constant 15 : i32
      %get3A_657 = arith.index_cast %get3A_656 : i32 to index
      %get3A_658 = arith.constant 64 : index
      %get3A_659 = tpu.vector_load %arg10[%get3A_657, %get3A_658] {strides = array<i32>} : memref<16x128xf32, #tpu.memory_space<vmem>>, vector<16xf32>,
      %add3A_660 = arith.addf %add3A_655, %get3A_659 : vector<16xf32>
      %swap3A_661 = arith.constant 64 : index
      %swap3A_662 = tpu.vector_load %arg11[%swap3A_661] {strides = array<i32>} : memref<128xf32, #tpu.memory_space<vmem>>, vector<16xf32>,
      tpu.vector_store %arg11[%swap3A_661], %add3A_660 {strides = array<i32>} : memref<128xf32, #tpu.memory_space<vmem>>, vector<16xf32>,
      %get3A_663 = arith.constant 0 : i32
      %get3A_664 = arith.index_cast %get3A_663 : i32 to index
      %get3A_665 = arith.constant 80 : index
      %get3A_666 = tpu.vector_load %arg10[%get3A_664, %get3A_665] {strides = array<i32>} : memref<16x128xf32, #tpu.memory_space<vmem>>, vector<16xf32>,
      %get3A_667 = arith.constant 1 : i32
      %get3A_668 = arith.index_cast %get3A_667 : i32 to index
      %get3A_669 = arith.constant 80 : index
      %get3A_670 = tpu.vector_load %arg10[%get3A_668, %get3A_669] {strides = array<i32>} : memref<16x128xf32, #tpu.memory_space<vmem>>, vector<16xf32>,
      %add3A_671 = arith.addf %get3A_666, %get3A_670 : vector<16xf32>
      %get3A_672 = arith.constant 2 : i32
      %get3A_673 = arith.index_cast %get3A_672 : i32 to index
      %get3A_674 = arith.constant 80 : index
      %get3A_675 = tpu.vector_load %arg10[%get3A_673, %get3A_674] {strides = array<i32>} : memref<16x128xf32, #tpu.memory_space<vmem>>, vector<16xf32>,
      %add3A_676 = arith.addf %add3A_671, %get3A_675 : vector<16xf32>
      %get3A_677 = arith.constant 3 : i32
      %get3A_678 = arith.index_cast %get3A_677 : i32 to index
      %get3A_679 = arith.constant 80 : index
      %get3A_680 = tpu.vector_load %arg10[%get3A_678, %get3A_679] {strides = array<i32>} : memref<16x128xf32, #tpu.memory_space<vmem>>, vector<16xf32>,
      %add3A_681 = arith.addf %add3A_676, %get3A_680 : vector<16xf32>
      %get3A_682 = arith.constant 4 : i32
      %get3A_683 = arith.index_cast %get3A_682 : i32 to index
      %get3A_684 = arith.constant 80 : index
      %get3A_685 = tpu.vector_load %arg10[%get3A_683, %get3A_684] {strides = array<i32>} : memref<16x128xf32, #tpu.memory_space<vmem>>, vector<16xf32>,
      %add3A_686 = arith.addf %add3A_681, %get3A_685 : vector<16xf32>
      %get3A_687 = arith.constant 5 : i32
      %get3A_688 = arith.index_cast %get3A_687 : i32 to index
      %get3A_689 = arith.constant 80 : index
      %get3A_690 = tpu.vector_load %arg10[%get3A_688, %get3A_689] {strides = array<i32>} : memref<16x128xf32, #tpu.memory_space<vmem>>, vector<16xf32>,
      %add3A_691 = arith.addf %add3A_686, %get3A_690 : vector<16xf32>
      %get3A_692 = arith.constant 6 : i32
      %get3A_693 = arith.index_cast %get3A_692 : i32 to index
      %get3A_694 = arith.constant 80 : index
      %get3A_695 = tpu.vector_load %arg10[%get3A_693, %get3A_694] {strides = array<i32>} : memref<16x128xf32, #tpu.memory_space<vmem>>, vector<16xf32>,
      %add3A_696 = arith.addf %add3A_691, %get3A_695 : vector<16xf32>
      %get3A_697 = arith.constant 7 : i32
      %get3A_698 = arith.index_cast %get3A_697 : i32 to index
      %get3A_699 = arith.constant 80 : index
      %get3A_700 = tpu.vector_load %arg10[%get3A_698, %get3A_699] {strides = array<i32>} : memref<16x128xf32, #tpu.memory_space<vmem>>, vector<16xf32>,
      %add3A_701 = arith.addf %add3A_696, %get3A_700 : vector<16xf32>
      %get3A_702 = arith.constant 8 : i32
      %get3A_703 = arith.index_cast %get3A_702 : i32 to index
      %get3A_704 = arith.constant 80 : index
      %get3A_705 = tpu.vector_load %arg10[%get3A_703, %get3A_704] {strides = array<i32>} : memref<16x128xf32, #tpu.memory_space<vmem>>, vector<16xf32>,
      %add3A_706 = arith.addf %add3A_701, %get3A_705 : vector<16xf32>
      %get3A_707 = arith.constant 9 : i32
      %get3A_708 = arith.index_cast %get3A_707 : i32 to index
      %get3A_709 = arith.constant 80 : index
      %get3A_710 = tpu.vector_load %arg10[%get3A_708, %get3A_709] {strides = array<i32>} : memref<16x128xf32, #tpu.memory_space<vmem>>, vector<16xf32>,
      %add3A_711 = arith.addf %add3A_706, %get3A_710 : vector<16xf32>
      %get3A_712 = arith.constant 10 : i32
      %get3A_713 = arith.index_cast %get3A_712 : i32 to index
      %get3A_714 = arith.constant 80 : index
      %get3A_715 = tpu.vector_load %arg10[%get3A_713, %get3A_714] {strides = array<i32>} : memref<16x128xf32, #tpu.memory_space<vmem>>, vector<16xf32>,
      %add3A_716 = arith.addf %add3A_711, %get3A_715 : vector<16xf32>
      %get3A_717 = arith.constant 11 : i32
      %get3A_718 = arith.index_cast %get3A_717 : i32 to index
      %get3A_719 = arith.constant 80 : index
      %get3A_720 = tpu.vector_load %arg10[%get3A_718, %get3A_719] {strides = array<i32>} : memref<16x128xf32, #tpu.memory_space<vmem>>, vector<16xf32>,
      %add3A_721 = arith.addf %add3A_716, %get3A_720 : vector<16xf32>
      %get3A_722 = arith.constant 12 : i32
      %get3A_723 = arith.index_cast %get3A_722 : i32 to index
      %get3A_724 = arith.constant 80 : index
      %get3A_725 = tpu.vector_load %arg10[%get3A_723, %get3A_724] {strides = array<i32>} : memref<16x128xf32, #tpu.memory_space<vmem>>, vector<16xf32>,
      %add3A_726 = arith.addf %add3A_721, %get3A_725 : vector<16xf32>
      %get3A_727 = arith.constant 13 : i32
      %get3A_728 = arith.index_cast %get3A_727 : i32 to index
      %get3A_729 = arith.constant 80 : index
      %get3A_730 = tpu.vector_load %arg10[%get3A_728, %get3A_729] {strides = array<i32>} : memref<16x128xf32, #tpu.memory_space<vmem>>, vector<16xf32>,
      %add3A_731 = arith.addf %add3A_726, %get3A_730 : vector<16xf32>
      %get3A_732 = arith.constant 14 : i32
      %get3A_733 = arith.index_cast %get3A_732 : i32 to index
      %get3A_734 = arith.constant 80 : index
      %get3A_735 = tpu.vector_load %arg10[%get3A_733, %get3A_734] {strides = array<i32>} : memref<16x128xf32, #tpu.memory_space<vmem>>, vector<16xf32>,
      %add3A_736 = arith.addf %add3A_731, %get3A_735 : vector<16xf32>
      %get3A_737 = arith.constant 15 : i32
      %get3A_738 = arith.index_cast %get3A_737 : i32 to index
      %get3A_739 = arith.constant 80 : index
      %get3A_740 = tpu.vector_load %arg10[%get3A_738, %get3A_739] {strides = array<i32>} : memref<16x128xf32, #tpu.memory_space<vmem>>, vector<16xf32>,
      %add3A_741 = arith.addf %add3A_736, %get3A_740 : vector<16xf32>
      %swap3A_742 = arith.constant 80 : index
      %swap3A_743 = tpu.vector_load %arg11[%swap3A_742] {strides = array<i32>} : memref<128xf32, #tpu.memory_space<vmem>>, vector<16xf32>,
      tpu.vector_store %arg11[%swap3A_742], %add3A_741 {strides = array<i32>} : memref<128xf32, #tpu.memory_space<vmem>>, vector<16xf32>,
      %get3A_744 = arith.constant 0 : i32
      %get3A_745 = arith.index_cast %get3A_744 : i32 to index
      %get3A_746 = arith.constant 96 : index
      %get3A_747 = tpu.vector_load %arg10[%get3A_745, %get3A_746] {strides = array<i32>} : memref<16x128xf32, #tpu.memory_space<vmem>>, vector<16xf32>,
      %get3A_748 = arith.constant 1 : i32
      %get3A_749 = arith.index_cast %get3A_748 : i32 to index
      %get3A_750 = arith.constant 96 : index
      %get3A_751 = tpu.vector_load %arg10[%get3A_749, %get3A_750] {strides = array<i32>} : memref<16x128xf32, #tpu.memory_space<vmem>>, vector<16xf32>,
      %add3A_752 = arith.addf %get3A_747, %get3A_751 : vector<16xf32>
      %get3A_753 = arith.constant 2 : i32
      %get3A_754 = arith.index_cast %get3A_753 : i32 to index
      %get3A_755 = arith.constant 96 : index
      %get3A_756 = tpu.vector_load %arg10[%get3A_754, %get3A_755] {strides = array<i32>} : memref<16x128xf32, #tpu.memory_space<vmem>>, vector<16xf32>,
      %add3A_757 = arith.addf %add3A_752, %get3A_756 : vector<16xf32>
      %get3A_758 = arith.constant 3 : i32
      %get3A_759 = arith.index_cast %get3A_758 : i32 to index
      %get3A_760 = arith.constant 96 : index
      %get3A_761 = tpu.vector_load %arg10[%get3A_759, %get3A_760] {strides = array<i32>} : memref<16x128xf32, #tpu.memory_space<vmem>>, vector<16xf32>,
      %add3A_762 = arith.addf %add3A_757, %get3A_761 : vector<16xf32>
      %get3A_763 = arith.constant 4 : i32
      %get3A_764 = arith.index_cast %get3A_763 : i32 to index
      %get3A_765 = arith.constant 96 : index
      %get3A_766 = tpu.vector_load %arg10[%get3A_764, %get3A_765] {strides = array<i32>} : memref<16x128xf32, #tpu.memory_space<vmem>>, vector<16xf32>,
      %add3A_767 = arith.addf %add3A_762, %get3A_766 : vector<16xf32>
      %get3A_768 = arith.constant 5 : i32
      %get3A_769 = arith.index_cast %get3A_768 : i32 to index
      %get3A_770 = arith.constant 96 : index
      %get3A_771 = tpu.vector_load %arg10[%get3A_769, %get3A_770] {strides = array<i32>} : memref<16x128xf32, #tpu.memory_space<vmem>>, vector<16xf32>,
      %add3A_772 = arith.addf %add3A_767, %get3A_771 : vector<16xf32>
      %get3A_773 = arith.constant 6 : i32
      %get3A_774 = arith.index_cast %get3A_773 : i32 to index
      %get3A_775 = arith.constant 96 : index
      %get3A_776 = tpu.vector_load %arg10[%get3A_774, %get3A_775] {strides = array<i32>} : memref<16x128xf32, #tpu.memory_space<vmem>>, vector<16xf32>,
      %add3A_777 = arith.addf %add3A_772, %get3A_776 : vector<16xf32>
      %get3A_778 = arith.constant 7 : i32
      %get3A_779 = arith.index_cast %get3A_778 : i32 to index
      %get3A_780 = arith.constant 96 : index
      %get3A_781 = tpu.vector_load %arg10[%get3A_779, %get3A_780] {strides = array<i32>} : memref<16x128xf32, #tpu.memory_space<vmem>>, vector<16xf32>,
      %add3A_782 = arith.addf %add3A_777, %get3A_781 : vector<16xf32>
      %get3A_783 = arith.constant 8 : i32
      %get3A_784 = arith.index_cast %get3A_783 : i32 to index
      %get3A_785 = arith.constant 96 : index
      %get3A_786 = tpu.vector_load %arg10[%get3A_784, %get3A_785] {strides = array<i32>} : memref<16x128xf32, #tpu.memory_space<vmem>>, vector<16xf32>,
      %add3A_787 = arith.addf %add3A_782, %get3A_786 : vector<16xf32>
      %get3A_788 = arith.constant 9 : i32
      %get3A_789 = arith.index_cast %get3A_788 : i32 to index
      %get3A_790 = arith.constant 96 : index
      %get3A_791 = tpu.vector_load %arg10[%get3A_789, %get3A_790] {strides = array<i32>} : memref<16x128xf32, #tpu.memory_space<vmem>>, vector<16xf32>,
      %add3A_792 = arith.addf %add3A_787, %get3A_791 : vector<16xf32>
      %get3A_793 = arith.constant 10 : i32
      %get3A_794 = arith.index_cast %get3A_793 : i32 to index
      %get3A_795 = arith.constant 96 : index
      %get3A_796 = tpu.vector_load %arg10[%get3A_794, %get3A_795] {strides = array<i32>} : memref<16x128xf32, #tpu.memory_space<vmem>>, vector<16xf32>,
      %add3A_797 = arith.addf %add3A_792, %get3A_796 : vector<16xf32>
      %get3A_798 = arith.constant 11 : i32
      %get3A_799 = arith.index_cast %get3A_798 : i32 to index
      %get3A_800 = arith.constant 96 : index
      %get3A_801 = tpu.vector_load %arg10[%get3A_799, %get3A_800] {strides = array<i32>} : memref<16x128xf32, #tpu.memory_space<vmem>>, vector<16xf32>,
      %add3A_802 = arith.addf %add3A_797, %get3A_801 : vector<16xf32>
      %get3A_803 = arith.constant 12 : i32
      %get3A_804 = arith.index_cast %get3A_803 : i32 to index
      %get3A_805 = arith.constant 96 : index
      %get3A_806 = tpu.vector_load %arg10[%get3A_804, %get3A_805] {strides = array<i32>} : memref<16x128xf32, #tpu.memory_space<vmem>>, vector<16xf32>,
      %add3A_807 = arith.addf %add3A_802, %get3A_806 : vector<16xf32>
      %get3A_808 = arith.constant 13 : i32
      %get3A_809 = arith.index_cast %get3A_808 : i32 to index
      %get3A_810 = arith.constant 96 : index
      %get3A_811 = tpu.vector_load %arg10[%get3A_809, %get3A_810] {strides = array<i32>} : memref<16x128xf32, #tpu.memory_space<vmem>>, vector<16xf32>,
      %add3A_812 = arith.addf %add3A_807, %get3A_811 : vector<16xf32>
      %get3A_813 = arith.constant 14 : i32
      %get3A_814 = arith.index_cast %get3A_813 : i32 to index
      %get3A_815 = arith.constant 96 : index
      %get3A_816 = tpu.vector_load %arg10[%get3A_814, %get3A_815] {strides = array<i32>} : memref<16x128xf32, #tpu.memory_space<vmem>>, vector<16xf32>,
      %add3A_817 = arith.addf %add3A_812, %get3A_816 : vector<16xf32>
      %get3A_818 = arith.constant 15 : i32
      %get3A_819 = arith.index_cast %get3A_818 : i32 to index
      %get3A_820 = arith.constant 96 : index
      %get3A_821 = tpu.vector_load %arg10[%get3A_819, %get3A_820] {strides = array<i32>} : memref<16x128xf32, #tpu.memory_space<vmem>>, vector<16xf32>,
      %add3A_822 = arith.addf %add3A_817, %get3A_821 : vector<16xf32>
      %swap3A_823 = arith.constant 96 : index
      %swap3A_824 = tpu.vector_load %arg11[%swap3A_823] {strides = array<i32>} : memref<128xf32, #tpu.memory_space<vmem>>, vector<16xf32>,
      tpu.vector_store %arg11[%swap3A_823], %add3A_822 {strides = array<i32>} : memref<128xf32, #tpu.memory_space<vmem>>, vector<16xf32>,
      %get3A_825 = arith.constant 0 : i32
      %get3A_826 = arith.index_cast %get3A_825 : i32 to index
      %get3A_827 = arith.constant 112 : index
      %get3A_828 = tpu.vector_load %arg10[%get3A_826, %get3A_827] {strides = array<i32>} : memref<16x128xf32, #tpu.memory_space<vmem>>, vector<16xf32>,
      %get3A_829 = arith.constant 1 : i32
      %get3A_830 = arith.index_cast %get3A_829 : i32 to index
      %get3A_831 = arith.constant 112 : index
      %get3A_832 = tpu.vector_load %arg10[%get3A_830, %get3A_831] {strides = array<i32>} : memref<16x128xf32, #tpu.memory_space<vmem>>, vector<16xf32>,
      %add3A_833 = arith.addf %get3A_828, %get3A_832 : vector<16xf32>
      %get3A_834 = arith.constant 2 : i32
      %get3A_835 = arith.index_cast %get3A_834 : i32 to index
      %get3A_836 = arith.constant 112 : index
      %get3A_837 = tpu.vector_load %arg10[%get3A_835, %get3A_836] {strides = array<i32>} : memref<16x128xf32, #tpu.memory_space<vmem>>, vector<16xf32>,
      %add3A_838 = arith.addf %add3A_833, %get3A_837 : vector<16xf32>
      %get3A_839 = arith.constant 3 : i32
      %get3A_840 = arith.index_cast %get3A_839 : i32 to index
      %get3A_841 = arith.constant 112 : index
      %get3A_842 = tpu.vector_load %arg10[%get3A_840, %get3A_841] {strides = array<i32>} : memref<16x128xf32, #tpu.memory_space<vmem>>, vector<16xf32>,
      %add3A_843 = arith.addf %add3A_838, %get3A_842 : vector<16xf32>
      %get3A_844 = arith.constant 4 : i32
      %get3A_845 = arith.index_cast %get3A_844 : i32 to index
      %get3A_846 = arith.constant 112 : index
      %get3A_847 = tpu.vector_load %arg10[%get3A_845, %get3A_846] {strides = array<i32>} : memref<16x128xf32, #tpu.memory_space<vmem>>, vector<16xf32>,
      %add3A_848 = arith.addf %add3A_843, %get3A_847 : vector<16xf32>
      %get3A_849 = arith.constant 5 : i32
      %get3A_850 = arith.index_cast %get3A_849 : i32 to index
      %get3A_851 = arith.constant 112 : index
      %get3A_852 = tpu.vector_load %arg10[%get3A_850, %get3A_851] {strides = array<i32>} : memref<16x128xf32, #tpu.memory_space<vmem>>, vector<16xf32>,
      %add3A_853 = arith.addf %add3A_848, %get3A_852 : vector<16xf32>
      %get3A_854 = arith.constant 6 : i32
      %get3A_855 = arith.index_cast %get3A_854 : i32 to index
      %get3A_856 = arith.constant 112 : index
      %get3A_857 = tpu.vector_load %arg10[%get3A_855, %get3A_856] {strides = array<i32>} : memref<16x128xf32, #tpu.memory_space<vmem>>, vector<16xf32>,
      %add3A_858 = arith.addf %add3A_853, %get3A_857 : vector<16xf32>
      %get3A_859 = arith.constant 7 : i32
      %get3A_860 = arith.index_cast %get3A_859 : i32 to index
      %get3A_861 = arith.constant 112 : index
      %get3A_862 = tpu.vector_load %arg10[%get3A_860, %get3A_861] {strides = array<i32>} : memref<16x128xf32, #tpu.memory_space<vmem>>, vector<16xf32>,
      %add3A_863 = arith.addf %add3A_858, %get3A_862 : vector<16xf32>
      %get3A_864 = arith.constant 8 : i32
      %get3A_865 = arith.index_cast %get3A_864 : i32 to index
      %get3A_866 = arith.constant 112 : index
      %get3A_867 = tpu.vector_load %arg10[%get3A_865, %get3A_866] {strides = array<i32>} : memref<16x128xf32, #tpu.memory_space<vmem>>, vector<16xf32>,
      %add3A_868 = arith.addf %add3A_863, %get3A_867 : vector<16xf32>
      %get3A_869 = arith.constant 9 : i32
      %get3A_870 = arith.index_cast %get3A_869 : i32 to index
      %get3A_871 = arith.constant 112 : index
      %get3A_872 = tpu.vector_load %arg10[%get3A_870, %get3A_871] {strides = array<i32>} : memref<16x128xf32, #tpu.memory_space<vmem>>, vector<16xf32>,
      %add3A_873 = arith.addf %add3A_868, %get3A_872 : vector<16xf32>
      %get3A_874 = arith.constant 10 : i32
      %get3A_875 = arith.index_cast %get3A_874 : i32 to index
      %get3A_876 = arith.constant 112 : index
      %get3A_877 = tpu.vector_load %arg10[%get3A_875, %get3A_876] {strides = array<i32>} : memref<16x128xf32, #tpu.memory_space<vmem>>, vector<16xf32>,
      %add3A_878 = arith.addf %add3A_873, %get3A_877 : vector<16xf32>
      %get3A_879 = arith.constant 11 : i32
      %get3A_880 = arith.index_cast %get3A_879 : i32 to index
      %get3A_881 = arith.constant 112 : index
      %get3A_882 = tpu.vector_load %arg10[%get3A_880, %get3A_881] {strides = array<i32>} : memref<16x128xf32, #tpu.memory_space<vmem>>, vector<16xf32>,
      %add3A_883 = arith.addf %add3A_878, %get3A_882 : vector<16xf32>
      %get3A_884 = arith.constant 12 : i32
      %get3A_885 = arith.index_cast %get3A_884 : i32 to index
      %get3A_886 = arith.constant 112 : index
      %get3A_887 = tpu.vector_load %arg10[%get3A_885, %get3A_886] {strides = array<i32>} : memref<16x128xf32, #tpu.memory_space<vmem>>, vector<16xf32>,
      %add3A_888 = arith.addf %add3A_883, %get3A_887 : vector<16xf32>
      %get3A_889 = arith.constant 13 : i32
      %get3A_890 = arith.index_cast %get3A_889 : i32 to index
      %get3A_891 = arith.constant 112 : index
      %get3A_892 = tpu.vector_load %arg10[%get3A_890, %get3A_891] {strides = array<i32>} : memref<16x128xf32, #tpu.memory_space<vmem>>, vector<16xf32>,
      %add3A_893 = arith.addf %add3A_888, %get3A_892 : vector<16xf32>
      %get3A_894 = arith.constant 14 : i32
      %get3A_895 = arith.index_cast %get3A_894 : i32 to index
      %get3A_896 = arith.constant 112 : index
      %get3A_897 = tpu.vector_load %arg10[%get3A_895, %get3A_896] {strides = array<i32>} : memref<16x128xf32, #tpu.memory_space<vmem>>, vector<16xf32>,
      %add3A_898 = arith.addf %add3A_893, %get3A_897 : vector<16xf32>
      %get3A_899 = arith.constant 15 : i32
      %get3A_900 = arith.index_cast %get3A_899 : i32 to index
      %get3A_901 = arith.constant 112 : index
      %get3A_902 = tpu.vector_load %arg10[%get3A_900, %get3A_901] {strides = array<i32>} : memref<16x128xf32, #tpu.memory_space<vmem>>, vector<16xf32>,
      %add3A_903 = arith.addf %add3A_898, %get3A_902 : vector<16xf32>
      %swap3A_904 = arith.constant 112 : index
      %swap3A_905 = tpu.vector_load %arg11[%swap3A_904] {strides = array<i32>} : memref<128xf32, #tpu.memory_space<vmem>>, vector<16xf32>,
      tpu.vector_store %arg11[%swap3A_904], %add3A_903 {strides = array<i32>} : memref<128xf32, #tpu.memory_space<vmem>>, vector<16xf32>,
      "tpu.region"() ({
        %run_scoped3A = tpu.sem_alloc : memref<!tpu.dma_semaphore, #tpu.memory_space<semaphore_mem>>
        %dma_start3A_906 = tpu.memref_slice %arg5[%arg0, %mul3A_258] : memref<2x1024xf32, #tpu.memory_space<hbm>> -> memref<1x128xf32, #tpu.memory_space<hbm>>
        %dma_start3A_907 = tpu.memref_squeeze %dma_start3A_906 : memref<1x128xf32, #tpu.memory_space<hbm>> -> memref<128xf32, #tpu.memory_space<hbm>>
        %dma_start3A_908 = tpu.memref_slice %arg5[%arg0, %mul3A_258] : memref<2x1024xf32, #tpu.memory_space<hbm>> -> memref<1x128xf32, #tpu.memory_space<hbm>>
        %dma_start3A_909 = tpu.memref_squeeze %dma_start3A_908 : memref<1x128xf32, #tpu.memory_space<hbm>> -> memref<128xf32, #tpu.memory_space<hbm>>
        tpu.enqueue_dma source(%arg11 : memref<128xf32, #tpu.memory_space<vmem>>) target(%dma_start3A_909 : memref<128xf32, #tpu.memory_space<hbm>>) target_semaphore(%run_scoped3A : memref<!tpu.dma_semaphore, #tpu.memory_space<semaphore_mem>>)
        %dma_wait3A_910 = tpu.memref_slice %arg5[%arg0, %mul3A_258] : memref<2x1024xf32, #tpu.memory_space<hbm>> -> memref<1x128xf32, #tpu.memory_space<hbm>>
        %dma_wait3A_911 = tpu.memref_squeeze %dma_wait3A_910 : memref<1x128xf32, #tpu.memory_space<hbm>> -> memref<128xf32, #tpu.memory_space<hbm>>
        %dma_wait3A_912 = tpu.memref_slice %arg5[%arg0, %mul3A_258] : memref<2x1024xf32, #tpu.memory_space<hbm>> -> memref<1x128xf32, #tpu.memory_space<hbm>>
        %dma_wait3A_913 = tpu.memref_squeeze %dma_wait3A_912 : memref<1x128xf32, #tpu.memory_space<hbm>> -> memref<128xf32, #tpu.memory_space<hbm>>
        tpu.wait_dma2 semaphore(%run_scoped3A : memref<!tpu.dma_semaphore, #tpu.memory_space<semaphore_mem>>) src(%arg11 : memref<128xf32, #tpu.memory_space<vmem>>) dst(%dma_wait3A_913 : memref<128xf32, #tpu.memory_space<hbm>>)
        tpu.yield
      }) : () -> ()
    } else {
    }
    return
  }
}

module attributes {stable_mosaic.version = 14 : i64} {
  func.func @body(%arg0: i32, %arg1: memref<2x1024xf32, #tpu.memory_space<vmem>>, %arg2: memref<13x128xf32, #tpu.memory_space<vmem>>, %arg3: memref<3x128xf32, #tpu.memory_space<vmem>>, %arg4: memref<32xi32, #tpu.memory_space<vmem>>, %arg5: memref<1x256xf32, #tpu.memory_space<vmem>>, %arg6: memref<3x256xf32, #tpu.memory_space<vmem>>) attributes {dimension_semantics = [#tpu.dimension_semantics<arbitrary>], iteration_bounds = array<i64: 1>, scalar_prefetch = 0 : i64, scratch_operands = 0 : i64, tpu.core_type = #tpu.core_type<tc>, window_params = [{pipeline_mode = #tpu.pipeline_mode<synchronous>, transform_indices = @transform_0, window_bounds = array<i64: 2, 1024>}, {transform_indices = @transform_1, window_bounds = array<i64: 13, 128>}, {transform_indices = @transform_2, window_bounds = array<i64: 3, 128>}, {pipeline_mode = #tpu.pipeline_mode<synchronous>, transform_indices = @transform_3, window_bounds = array<i64: 32>}, {pipeline_mode = #tpu.pipeline_mode<synchronous>, transform_indices = @transform_4, window_bounds = array<i64: 1, 256>}, {pipeline_mode = #tpu.pipeline_mode<synchronous>, transform_indices = @transform_5, window_bounds = array<i64: 3, 256>}]} {
    %get3A = arith.constant 0 : index
    %get3A_0 = arith.constant 0 : index
    %get3A_1 = vector.load %arg1[%get3A, %get3A_0] : memref<2x1024xf32, #tpu.memory_space<vmem>>, vector<2x1024xf32>
    %reduce_sum3A = arith.constant dense<0.000000e+00> : vector<1024xf32>
    %reduce_sum3A_2 = vector.multi_reduction <add>, %get3A_1, %reduce_sum3A [0] : vector<2x1024xf32> to vector<1024xf32>
    %broadcast_in_dim3A = vector.shape_cast %reduce_sum3A_2 : vector<1024xf32> to vector<1x1024xf32>
    %get3A_3 = arith.constant 0 : index
    %get3A_4 = arith.constant 0 : index
    %get3A_5 = vector.load %arg2[%get3A_3, %get3A_4] : memref<13x128xf32, #tpu.memory_space<vmem>>, vector<13x128xf32>
    %slice3A = vector.extract_strided_slice %get3A_5 {offsets = [3, 0], sizes = [1, 128], strides = [1, 1]} : vector<13x128xf32> to vector<1x128xf32>
    %slice3A_6 = vector.extract_strided_slice %get3A_5 {offsets = [4, 0], sizes = [1, 128], strides = [1, 1]} : vector<13x128xf32> to vector<1x128xf32>
    %slice3A_7 = vector.extract_strided_slice %get3A_5 {offsets = [5, 0], sizes = [1, 128], strides = [1, 1]} : vector<13x128xf32> to vector<1x128xf32>
    %slice3A_8 = vector.extract_strided_slice %get3A_5 {offsets = [6, 0], sizes = [1, 128], strides = [1, 1]} : vector<13x128xf32> to vector<1x128xf32>
    %gt3A = arith.cmpf ogt, %slice3A_6, %slice3A : vector<1x128xf32>
    %ge3A = arith.cmpf oge, %slice3A_6, %slice3A_7 : vector<1x128xf32>
    %and3A = arith.andi %gt3A, %ge3A : vector<1x128xi1>
    %ge3A_9 = arith.cmpf oge, %slice3A_6, %slice3A_8 : vector<1x128xf32>
    %and3A_10 = arith.andi %and3A, %ge3A_9 : vector<1x128xi1>
    %convert_element_type3A = arith.extui %and3A_10 : vector<1x128xi1> to vector<1x128xi32>
    %convert_element_type3A_11 = arith.sitofp %convert_element_type3A : vector<1x128xi32> to vector<1x128xf32>
    %get3A_12 = arith.constant 0 : index
    %get3A_13 = arith.constant 0 : index
    %get3A_14 = vector.load %arg3[%get3A_12, %get3A_13] : memref<3x128xf32, #tpu.memory_space<vmem>>, vector<3x128xf32>
    %mul3A = vector.broadcast %convert_element_type3A_11 : vector<1x128xf32> to vector<3x128xf32>
    %mul3A_15 = arith.mulf %get3A_14, %mul3A : vector<3x128xf32>
    %concatenate3A = tpu.concatenate %convert_element_type3A_11, %mul3A_15 in 0 : vector<1x128xf32>, vector<3x128xf32> -> vector<4x128xf32>
    %slice3A_16 = vector.extract_strided_slice %concatenate3A {offsets = [0, 0], sizes = [4, 32], strides = [1, 1]} : vector<4x128xf32> to vector<4x32xf32>
    %iota3A = tpu.iota {dimensions = array<i32: 0>} : vector<256x32xi32>
    %get3A_17 = arith.constant 0 : index
    %get3A_18 = vector.load %arg4[%get3A_17] : memref<32xi32, #tpu.memory_space<vmem>>, vector<32xi32>
    %broadcast_in_dim3A_19 = vector.shape_cast %get3A_18 : vector<32xi32> to vector<1x32xi32>
    %eq3A = vector.broadcast %broadcast_in_dim3A_19 : vector<1x32xi32> to vector<256x32xi32>
    %eq3A_20 = arith.cmpi eq, %iota3A, %eq3A : vector<256x32xi32>
    %convert_element_type3A_21 = arith.extui %eq3A_20 : vector<256x32xi1> to vector<256x32xi32>
    %convert_element_type3A_22 = arith.sitofp %convert_element_type3A_21 : vector<256x32xi32> to vector<256x32xf32>
    %dot_general3A = arith.constant dense<0.000000e+00> : vector<4x256xf32>
    %dot_general3A_23 = tpu.matmul %slice3A_16, %convert_element_type3A_22, %dot_general3A {dimension_numbers = #tpu.dot_dimension_numbers<[1], [1], [0], [0], [0, 0, 1, 0], [], []>, precision = #tpu.contract_precision<fp32>, transpose_lhs_hint = false} : vector<4x32xf32>, vector<256x32xf32>, vector<4x256xf32> -> vector<4x256xf32>
    %slice3A_24 = vector.extract_strided_slice %broadcast_in_dim3A {offsets = [0, 0], sizes = [1, 256], strides = [1, 1]} : vector<1x1024xf32> to vector<1x256xf32>
    %slice3A_25 = vector.extract_strided_slice %dot_general3A_23 {offsets = [0, 0], sizes = [1, 256], strides = [1, 1]} : vector<4x256xf32> to vector<1x256xf32>
    %add3A = arith.addf %slice3A_24, %slice3A_25 : vector<1x256xf32>
    %slice3A_26 = vector.extract_strided_slice %broadcast_in_dim3A {offsets = [0, 256], sizes = [1, 256], strides = [1, 1]} : vector<1x1024xf32> to vector<1x256xf32>
    %slice3A_27 = vector.extract_strided_slice %dot_general3A_23 {offsets = [1, 0], sizes = [1, 256], strides = [1, 1]} : vector<4x256xf32> to vector<1x256xf32>
    %add3A_28 = arith.addf %slice3A_26, %slice3A_27 : vector<1x256xf32>
    %slice3A_29 = vector.extract_strided_slice %broadcast_in_dim3A {offsets = [0, 512], sizes = [1, 256], strides = [1, 1]} : vector<1x1024xf32> to vector<1x256xf32>
    %slice3A_30 = vector.extract_strided_slice %dot_general3A_23 {offsets = [2, 0], sizes = [1, 256], strides = [1, 1]} : vector<4x256xf32> to vector<1x256xf32>
    %add3A_31 = arith.addf %slice3A_29, %slice3A_30 : vector<1x256xf32>
    %slice3A_32 = vector.extract_strided_slice %broadcast_in_dim3A {offsets = [0, 768], sizes = [1, 256], strides = [1, 1]} : vector<1x1024xf32> to vector<1x256xf32>
    %slice3A_33 = vector.extract_strided_slice %dot_general3A_23 {offsets = [3, 0], sizes = [1, 256], strides = [1, 1]} : vector<4x256xf32> to vector<1x256xf32>
    %add3A_34 = arith.addf %slice3A_32, %slice3A_33 : vector<1x256xf32>
    %max3A = arith.constant 1.000000e+00 : f32
    %max3A_35 = vector.broadcast %max3A : f32 to vector<1x256xf32>
    %max3A_36 = arith.maximumf %add3A, %max3A_35 : vector<1x256xf32>
    %div3A = arith.divf %add3A_28, %max3A_36 : vector<1x256xf32>
    %div3A_37 = arith.divf %add3A_31, %max3A_36 : vector<1x256xf32>
    %div3A_38 = arith.divf %add3A_34, %max3A_36 : vector<1x256xf32>
    %mul3A_39 = arith.mulf %div3A, %div3A : vector<1x256xf32>
    %mul3A_40 = arith.mulf %div3A_37, %div3A_37 : vector<1x256xf32>
    %add3A_41 = arith.addf %mul3A_39, %mul3A_40 : vector<1x256xf32>
    %mul3A_42 = arith.mulf %div3A_38, %div3A_38 : vector<1x256xf32>
    %add3A_43 = arith.addf %add3A_41, %mul3A_42 : vector<1x256xf32>
    %sqrt3A = math.sqrt %add3A_43 : vector<1x256xf32>
    %swap3A = arith.constant 0 : index
    %swap3A_44 = arith.constant 0 : index
    %swap3A_45 = vector.load %arg5[%swap3A, %swap3A_44] : memref<1x256xf32, #tpu.memory_space<vmem>>, vector<1x256xf32>
    tpu.vector_store %arg5[%swap3A, %swap3A_44], %sqrt3A {strides = array<i32>} : memref<1x256xf32, #tpu.memory_space<vmem>>, vector<1x256xf32>,
    %div3A_46 = arith.divf %div3A, %sqrt3A : vector<1x256xf32>
    %div3A_47 = arith.divf %div3A_37, %sqrt3A : vector<1x256xf32>
    %div3A_48 = arith.divf %div3A_38, %sqrt3A : vector<1x256xf32>
    %concatenate3A_49 = tpu.concatenate %div3A_46, %div3A_47, %div3A_48 in 0 : vector<1x256xf32>, vector<1x256xf32>, vector<1x256xf32> -> vector<3x256xf32>
    %swap3A_50 = arith.constant 0 : index
    %swap3A_51 = arith.constant 0 : index
    %swap3A_52 = vector.load %arg6[%swap3A_50, %swap3A_51] : memref<3x256xf32, #tpu.memory_space<vmem>>, vector<3x256xf32>
    tpu.vector_store %arg6[%swap3A_50, %swap3A_51], %concatenate3A_49 {strides = array<i32>} : memref<3x256xf32, #tpu.memory_space<vmem>>, vector<3x256xf32>,
    return
  }
  func.func @transform_0(%arg0: i32) -> (i32, i32) {
    %c0_i32 = arith.constant 0 : i32
    %c0_i32_0 = arith.constant 0 : i32
    %c0_i32_1 = arith.constant 0 : i32
    return %c0_i32, %c0_i32_0 : i32, i32
  }
  func.func @transform_1(%arg0: i32) -> (i32, i32) {
    %c0_i32 = arith.constant 0 : i32
    %c781_i32 = arith.constant 781 : i32
    %c0_i32_0 = arith.constant 0 : i32
    return %c0_i32, %c781_i32 : i32, i32
  }
  func.func @transform_2(%arg0: i32) -> (i32, i32) {
    %c0_i32 = arith.constant 0 : i32
    %c781_i32 = arith.constant 781 : i32
    %c0_i32_0 = arith.constant 0 : i32
    return %c0_i32, %c781_i32 : i32, i32
  }
  func.func @transform_3(%arg0: i32) -> i32 {
    %c0_i32 = arith.constant 0 : i32
    %c0_i32_0 = arith.constant 0 : i32
    return %c0_i32 : i32
  }
  func.func @transform_4(%arg0: i32) -> (i32, i32) {
    %c0_i32 = arith.constant 0 : i32
    %c0_i32_0 = arith.constant 0 : i32
    %c0_i32_1 = arith.constant 0 : i32
    return %c0_i32, %c0_i32_0 : i32, i32
  }
  func.func @transform_5(%arg0: i32) -> (i32, i32) {
    %c0_i32 = arith.constant 0 : i32
    %c0_i32_0 = arith.constant 0 : i32
    %c0_i32_1 = arith.constant 0 : i32
    return %c0_i32, %c0_i32_0 : i32, i32
  }
}

</mosaic_0001>

<sc_bundles>
// kernel: kernel.4.cloned.1.call-start
scs
__scs_entry_jumppad:
0x0: {  	(pc) =	sbr.rel $0x88, $3  }
0x1: {  	(tag) =	ssettag $0x0;
	lr =	simm.s32 $0x1  }
0x2: {  	[smem:$0x3F9E] =	sst lr;
	_ =	strace $0xD0000000  }
0x3: {  	_ = 	snop  }
0x4: {  	_ = 	snop  }
0x5: {  	_ = 	snop  }
0x6: {  	_ = 	snop  }
0x7: {  	_ = 	snop  }
__scs_overlays_trampoline_lowered:
0x8: {  	[smem:$0x3FAD] =	sst s0  }
0x9: {  	[smem:$0x3FAE] =	sst s1  }
0xa: {  	[smem:$0x3FAF] =	sst s2  }
0xb: {  	[smem:$0x3FB0] =	sst s3  }
0xc: {  	[smem:$0x3FB1] =	sst s4  }
0xd: {  	[smem:$0x3FB2] =	sst s5  }
0xe: {  	[smem:$0x3FB3] =	sst s6  }
0xf: {  	[smem:$0x3FB4] =	sst s7  }
0x10: {  	[smem:$0x3FB5] =	sst s8  }
0x11: {  	[smem:$0x3FB6] =	sst s9;
	s0 =	simm.s32 @!p0 $0x0  }
0x12: {  	s1 =	sld [smem:$0x3F9C];
	s0 =	simm.s32 @p0 $0x1  }
0x13: {  	[smem:$0x3FB7] =	sst s0;
	s0 =	simm.s32 @!p1 $0x0  }
0x14: {  	s2 =	sld [smem:$0x3F9B];
	s0 =	simm.s32 @p1 $0x1  }
0x15: {  	[smem:$0x3FB8] =	sst s0;
	s0 =	simm.s32 @!p2 $0x0  }
0x16: {  	s3 =	sld [smem:$0x3FDB];
	s0 =	simm.s32 @p2 $0x1  }
0x17: {  	s4 =	simm.s32 $0x1BF5;
	[smem:$0x3FBA] =	sst s0  }
0x18: {  	s0 =	sld [smem:$0x3F9D];
	_ =	swait.ge [sflag:s4], $0x0  }
0x19: {  	s7 =	sld [smem:$0x3F9E]  }
0x1a: {  	s8 =	sadd.s32 $0xFFFFE003, lr  }
0x1b: {  	s9 =	sadd.s32 $0xFFFFFEF7, lr;
	s5 =	simm.s32 $0xFFFFFFFF;
	p2 =	slt.u32 s8, $0xFFFFF086  }
0x1c: {  	p1 =	slt.u32 s9, $0xF7A;
	s5 =	simm.s32 @!p2 $0x0  }
0x1d: {  	s5 =	simm.s32 @p1 $0x1;
	p0 =	seq.s32 s7, s2  }
0x1e: {  	s7 =	smul.u32 @!p0 $0xF7A, s2;
	p2 =	seq.s32 @!p0 s5, $0x0  }
0x1f: {  	s9 =	smul.u32 $0xF7A, s1;
	s8 =	simm.s32 @!p0 $0x1BF5;
	p2 =	por !p2, p0  }
0x20: {  	[sflag:s8] =	ssyncset.s32 @!p0 $0xFFFFF086;
	s6 =	sadd.s32 @!p0 s3, s7;
	s7 =	simm.s32 @!p0 $0x108  }
0x21: {  	s3 =	sadd.s32 s3, s9;
	s6 =	sadd.s32 @!p0 $0x88, s6;
	s7 =	simm.s32 @p2 $0x1082  }
0x22: {  	[simem:s7], [sflag:s8] =	dma.local @!p0 [hbm:s6], $0xF7A  }
0x23: {  	s9 =	sor.u32 $0xD0000000, s2;
	s6 =	simm.s32 $0x108;
	_ =	swait.ge @!p0 [sflag:s8], $0x0  }
0x24: {  	s3 =	sadd.s32 $0x88, s3;
	s6 =	simm.s32 @!p1 $0x1082;
	[sflag:s4] =	ssyncset.s32 $0xFFFFF086  }
0x25: {  	[simem:s6], [sflag:s4] =	dma.local [hbm:s3], $0xF7A  }
0x26: {  	[smem:$0x3F9E] =	sst s1;
	(tag) =	ssettag s2;
	_ =	strace s9  }
0x27: {  	s1 =	sld [smem:$0x3FAE]  }
0x28: {  	s2 =	sld [smem:$0x3FAF]  }
0x29: {  	s4 =	sld [smem:$0x3FB1]  }
0x2a: {  	p0 =	seq.s32 s5, $0x0;
	s5 =	sld [smem:$0x3FB2]  }
0x2b: {  	s6 =	sld [smem:$0x3FB3]  }
0x2c: {  	s7 =	sld [smem:$0x3FB4]  }
0x2d: {  	s3 =	simm.s32 $0x108;
	s8 =	sld [smem:$0x3FB5]  }
0x2e: {  	s3 =	simm.s32 @!p0 $0x1082;
	s9 =	sld [smem:$0x3FB6]  }
0x2f: {  	lr =	sadd.s32 s0, s3;
	s0 =	sld [smem:$0x3FAD]  }
0x30: {  	s3 =	sld [smem:$0x3FB0]  }
0x31: {  	[smem:$0x3FB9] =	sst s10  }
0x32: {  	s10 =	sld [smem:$0x3FB7];
	_ =	sdelay $0x3  }
0x33: {  	p0 =	seq.s32 s10, $0x1;
	s10 =	sld [smem:$0x3FB9];
	_ =	sdelay $0x3  }
0x34: {  	[smem:$0x3FB9] =	sst s10  }
0x35: {  	s10 =	sld [smem:$0x3FB8];
	_ =	sdelay $0x3  }
0x36: {  	p1 =	seq.s32 s10, $0x1;
	s10 =	sld [smem:$0x3FB9];
	_ =	sdelay $0x3  }
0x37: {  	[smem:$0x3FB9] =	sst s10  }
0x38: {  	s10 =	sld [smem:$0x3FBA]  }
0x39: {  	_ = 	snop;
	(pc) =	sbr.ind lr, $3  }
0x3a: {  	_ = 	snop  }
0x3b: {  	_ = 	snop  }
0x3c: {  	p2 =	seq.s32 s10, $0x1;
	s10 =	sld [smem:$0x3FB9]  }
0x3d: {  	_ =	shalt  }
0x3e: {  	_ =	shalt  }
0x3f: {  	_ =	shalt  }
0x40: {  	_ =	shalt  }
0x41: {  	_ =	shalt  }
0x42: {  	_ =	shalt  }
0x43: {  	_ =	shalt  }
0x44: {  	_ =	shalt  }
0x45: {  	_ =	shalt  }
0x46: {  	_ =	shalt  }
0x47: {  	_ =	shalt  }
0x48: {  	_ =	shalt  }
0x49: {  	_ =	shalt  }
0x4a: {  	_ =	shalt  }
0x4b: {  	_ =	shalt  }
0x4c: {  	_ =	shalt  }
0x4d: {  	_ =	shalt  }
0x4e: {  	_ =	shalt  }
0x4f: {  	_ =	shalt  }
0x50: {  	_ =	shalt  }
0x51: {  	_ =	shalt  }
0x52: {  	_ =	shalt  }
0x53: {  	_ =	shalt  }
0x54: {  	_ =	shalt  }
0x55: {  	_ =	shalt  }
0x56: {  	_ =	shalt  }
0x57: {  	_ =	shalt  }
0x58: {  	_ =	shalt  }
0x59: {  	_ =	shalt  }
0x5a: {  	_ =	shalt  }
0x5b: {  	_ =	shalt  }
0x5c: {  	_ =	shalt  }
0x5d: {  	_ =	shalt  }
0x5e: {  	_ =	shalt  }
0x5f: {  	_ =	shalt  }
0x60: {  	_ =	shalt  }
0x61: {  	_ =	shalt  }
0x62: {  	_ =	shalt  }
0x63: {  	_ =	shalt  }
0x64: {  	_ =	shalt  }
0x65: {  	_ =	shalt  }
0x66: {  	_ =	shalt  }
0x67: {  	_ =	shalt  }
0x68: {  	_ =	shalt  }
0x69: {  	_ =	shalt  }
0x6a: {  	_ =	shalt  }
0x6b: {  	_ =	shalt  }
0x6c: {  	_ =	shalt  }
0x6d: {  	_ =	shalt  }
0x6e: {  	_ =	shalt  }
0x6f: {  	_ =	shalt  }
0x70: {  	_ =	shalt  }
0x71: {  	_ =	shalt  }
0x72: {  	_ =	shalt  }
0x73: {  	_ =	shalt  }
0x74: {  	_ =	shalt  }
0x75: {  	_ =	shalt  }
0x76: {  	_ =	shalt  }
0x77: {  	_ =	shalt  }
0x78: {  	_ =	shalt  }
0x79: {  	_ =	shalt  }
0x7a: {  	_ =	shalt  }
0x7b: {  	_ =	shalt  }
0x7c: {  	_ =	shalt  }
0x7d: {  	_ =	shalt  }
0x7e: {  	_ =	shalt  }
0x7f: {  	_ =	shalt  }
0x80: {  	_ =	shalt  }
0x81: {  	_ =	shalt  }
0x82: {  	_ =	shalt  }
0x83: {  	_ =	shalt  }
0x84: {  	_ =	shalt  }
0x85: {  	_ =	shalt  }
0x86: {  	_ =	shalt  }
0x87: {  	_ =	shalt  }
.Lfunc_end0:
.L_simem_size_0:
called_computation_lowered:
.L_overlay_start_0:
0x88: {  	s2 =	sld [smem:$0x3FD9]  }
0x89: {  	s3 =	sld [smem:$0x3FFE];
	_ =	sdelay $0x1  }
0x8a: {  	s1 =	srdreg.scid  }
0x8b: {  	s0 =	sand.u32 $0x1, s1  }
0x8c: {  	s17 =	sshll.u32 s0, $0xA;
	s2 =	sadd.s32 s3, s2  }
0x8d: {  	s2 =	sadd.s32 s2, s17  }
0x8e: {  	[smem:$0x3FC5] =	sst s2  }
0x8f: {  	_ = 	snop  }
0x90: {  	s2 =	sld [smem:$0x3FC9]  }
0x91: {  	s18 =	sld [smem:$0x3FC8]  }
0x92: {  	s4 =	sld [smem:$0x3FC7];
	(tm) =	ssettm $0x1  }
0x93: {  	s5 =	sld [smem:$0x3FFB];
	_ =	sdelay $0x3  }
0x94: {  	_ =	strace s5  }
0x95: {  	s5 =	sld [smem:$0x3FFC];
	_ =	sdelay $0x3  }
0x96: {  	_ =	strace s5  }
0x97: {  	s5 =	sld [smem:$0x3FFD];
	_ =	sdelay $0x3  }
0x98: {  	_ =	strace s5  }
0x99: {  	_ =	strace $0x8FFFFFFF  }
0x9a: {  	s19 =	sld [smem:$0x3FDB];
	_ =	sdelay $0x1  }
0x9b: {  	s6 =	simm.s32 $_scs_section_size  }
0x9c: {  	s7 =	simm.s32 $_size__tile_overlayer_lowered;
	s8 =	simm.s32 $_tile_overlayer_lowered  }
0x9d: {  	s22 =	simm.s32 $0x1BFF;
	s21 =	sshll.u32 s8, $0x1;
	s5 =	sadd.s32 s6, s19  }
0x9e: {  	s9 =	simm.s32 $0x0;
	s20 =	sshll.u32 s7, $0x1;
	s7 =	sadd.s32 s21, s5  }
0x9f: {  	[timem:s9], [sflag:s22] =	dma.local [hbm:s7], s20  }
0xa0: {  	_ =	swait.ge [sflag:s22], s20  }
0xa1: {  	s6 =	ssub.s32 $0x0, s20;
	[sflag:s22] =	ssyncset.done $0x0  }
0xa2: {  	[sflag:s22] =	ssyncadd.s32 s6;
	_ =	sdelay $0x1  }
0xa3: {  	s23 =	simm.s32 $0x1B8B  }
0xa4: {  	_ =	swait.ge [sflag:s23], $0x1  }
0xa5: {  	[sflag:s23] =	ssyncset.done $0x0  }
0xa6: {  	s25 =	simm.s32 $0x1B8E;
	s24 =	sld [smem:$0x3FFE];
	[sflag:s23] =	ssyncadd.s32 $0xFFFFFFFF  }
0xa7: {  	s26 =	simm.s32 $execute0_lowered;
	[smem:$0x3FD2] =	sst s25  }
0xa8: {  	s7 =	sshll.u32 s26, $0x1;
	_ =	strace $0x80000046;
	[dreg:$0x1] =	wrdreg $0xFFFFFFFF  }
0xa9: {  	s28 =	simm.s32 $_size_execute0_lowered;
	s5 =	sadd.s32 s5, s7;
	[dreg:$0x0] =	wrdreg $0x0  }
0xaa: {  	s7 =	sshll.u32 s28, $0x1;
	[dreg:$0x2] =	wrdreg s5  }
0xab: {  	[dreg:$0x3] =	wrdreg s7  }
0xac: {  	[dreg:$0x4] =	wrdreg $0xC0  }
0xad: {  	_ =	task [dreg:s9], $0x5FFFF  }
0xae: {  	[dreg:$0x1] =	wrdreg $0xFFFFFFFF  }
0xaf: {  	[dreg:$0x0] =	wrdreg $0x60  }
0xb0: {  	[dreg:$0x2] =	wrdreg s2  }
0xb1: {  	[dreg:$0x3] =	wrdreg s18  }
0xb2: {  	[dreg:$0x4] =	wrdreg s4  }
0xb3: {  	[dreg:$0x5] =	wrdreg s24  }
0xb4: {  	[dreg:$0x6] =	wrdreg $0xAF000  }
0xb5: {  	[dreg:$0x7] =	wrdreg $0x9  }
0xb6: {  	_ =	task.clear_ibuf [dreg:s9], $0x8FFFF;
	_ =	strace $0x90000046  }
0xb7: {  	s29 =	simm.s32 $0x9;
	_ =	strace $0x80000048  }
0xb8: {  	_ =	swait.ge [sflag:s29], $0x1  }
0xb9: {  	[sflag:s29] =	ssyncadd.s32 $0xFFFFFFFF  }
0xba: {  	_ =	strace $0x90000048  }
0xbb: {  	_ =	sfence  }
0xbc: {  	s30 =	sld [smem:$0x0];
	_ =	sdelay $0x2  }
0xbd: {  	s31 =	sshll.u32 s1, $0xD;
	s1 =	sshrl.u32 s1, $0x2  }
0xbe: {  	s3 =	sand.u32 $0x4000, s31;
	s1 =	sadd.s32 s1, s30  }
0xbf: {  	s0 =	sor.u32 s3, s0;
	s1 =	sshll.u32 s1, $0x11  }
0xc0: {  	s0 =	sor.u32 s1, s0  }
0xc1: {  	s0 =	sadd.s32 $0x8F2B, s0  }
0xc2: {  	[sflag:s0] =	ssyncadd.remote.s32 $0x1  }
0xc3: {  	_ =	sfence.sel $0xFFFF  }
0xc4: {  	[dreg:$0x0] =	wrdreg $0xFFFFFFFF;
	(pc) =	sbr.abs _section_cstart, $3  }
0xc5: {  	[dreg:$0x1] =	wrdreg $0xFFFFFFFF  }
0xc6: {  	_ =	task.clear_ibuf [dreg:s9], $0x2FFFF;
	_ =	strace $0x9FFFFFFF  }
0xc7: {  	(tm) =	ssettm $0x7FFFFFFF  }
tec
execute0_lowered:
.L_overlay_start_1:
0x0: {  	(tag) =	ssettag $0x1  }
0x1: {  	s0 =	rddreg [dreg:$0x0]  }
0x2: {  	s2 =	rddreg [dreg:$0x1]  }
0x3: {  	s5 =	rddreg [dreg:$0x2]  }
0x4: {  	s3 =	rddreg [dreg:$0x3]  }
0x5: {  	s7 =	rddreg [dreg:$0x4];
	s1 =	simm.s32 $0x0  }
0x6: {  	s4 =	srdreg.scid;
	s13 =	stileid.u32;
	s21 =	simm.s32 $0x3  }
0x7: {  	[smem:$0x7FF] =	sst s1;
	s4 =	sand.u32 $0x1, s4;
	s22 =	sshll.u32 s13, $0xA  }
0x8: {  	s25 =	sshll.u32 s13, $0x5;
	_ =	strace $0x80000047;
	s6 =	ssub.s32 $0x2, s4  }
0x9: {  	s4 =	sshll.u32 s4, $0x4;
	s24 =	sand.u32 $0x2000, s22;
	s8 =	sshrl.u32 s6, $0x1  }
0xa: {  	s9 =	sadd.s32 s4, s3;
	s16 =	sor.u32 s13, s4;
	s3 =	simm.s32 $0x180  }
0xb: {  	s4 =	simm.s32 $0xFFFFFE80;
	s11 =	smul.u32 $0xC80, s16;
	p0 =	seq.s32 s16, $0x1F  }
0xc: {  	s10 =	ssub.s32 s6, s8;
	s17 =	smul.u32 $0x640, s16;
	s3 =	simm.s32 @!p0 $0x680  }
0xd: {  	s4 =	simm.s32 @!p0 $0xFFFFF980;
	s21 =	simm.s32 @!p0 $0xC;
	s18 =	sadd.s32 s0, s11  }
0xe: {  	s6 =	sshll.u32 s3, $0x3;
	s8 =	sadd.s32 s2, s17;
	s12 =	sshrl.u32 s11, $0x3  }
0xf: {  	s17 =	sadd.s32 s11, s3;
	s11 =	simm.s32 $0x3;
	[dreg:$0x6] =	wrdreg s18  }
0x10: {  	s15 =	sshll.u32 s21, $0x9;
	s23 =	sadd.s32 $0x9600, s3;
	[dreg:$0x7] =	wrdreg s8  }
0x11: {  	s8 =	sshll.u32 s3, $0x2;
	s12 =	sadd.s32 s5, s12;
	s0 =	sadd.s32 s0, s17  }
0x12: {  	s20 =	sshrl.u32 s17, $0x1;
	[dreg:$0xc] =	wrdreg s23;
	s18 =	sshll.u32 s13, $0x7  }
0x13: {  	s17 =	sshrl.u32 s17, $0x3;
	s23 =	ssub.s32 $0x0, s6;
	[dreg:$0x8] =	wrdreg s12  }
0x14: {  	s29 =	ssub.s32 $0x0, s15;
	[dreg:$0x9] =	wrdreg s0;
	s12 =	sshll.u32 s21, $0xA  }
0x15: {  	s19 =	sadd.s32 $0x6400, s8;
	s0 =	sadd.s32 s2, s20;
	s18 =	sand.u32 $0x380, s18  }
0x16: {  	s2 =	sadd.s32 s24, s7;
	s17 =	sadd.s32 s5, s17;
	s20 =	simm.s32 $0x30  }
0x17: {  	s21 =	sshll.u32 s21, $0x7;
	s24 =	simm.s32 $0x2;
	[dreg:$0xa] =	wrdreg s19  }
0x18: {  	s5 =	simm.s32 $0x0;
	[dreg:$0xb] =	wrdreg s0;
	s18 =	sadd.s32 s18, s2  }
0x19: {  	s19 =	simm.s32 $0x18;
	s2 =	sadd.s32 s25, s9;
	s20 =	simm.s32 @!p0 $0xC8  }
.Ltmp0:
0x1a: {  	s0 =	sadd.s32 s22, s7;
	s25 =	smax.u32 s10, $0x1;
	(pc) =	sbr.rel .LBB2_1-.Ltmp0, $4  }
0x1b: {  	s28 =	ssub.s32 $0x0, s12;
	s31 =	ssub.s32 $0x0, s21;
	s22 =	simm.s32 $0xA280  }
0x1c: {  	s19 =	simm.s32 @!p0 $0x68;
	[dreg:$0xd] =	wrdreg s0;
	s26 =	sadd.s32 $0xC00, s2  }
0x1d: {  	p0 =	sgt.u32 s13, $0x7;
	s2 =	simm.s32 $0x1;
	s30 =	sshll.u32 s19, $0x4  }
0x1e: {  	v0 =	vimm.f32 $0.0e+00;
	v1 =	vimm.f32 $1.000000000e+00;
	[dreg:$0xe] =	wrdreg s26;
	s26 =	ssub.s32 $0x0, s8;
	s10 =	sadd.s32 $0x9600, s30  }
.LBB2_7:
0x1f: {  	s5 =	sadd.s32 $0x1, s5  }
0x20: {  	p1 =	sne.s32 s5, s25  }
.Ltmp1:
0x21: {  	_ = 	snop;
	(pc) =	sbr.rel @!p1 .LBB2_8-.Ltmp1, $1  }
0x22: {  	_ =	sdelay $0x3  }
.LBB2_1:
0x23: {  	s0 =	rddreg [dreg:$0x6]  }
0x24: {  	s9 =	rddreg [dreg:$0x7]  }
0x25: {  	[tilespmem:s1], [sflag:$0x1] =	stream.linear.gather [hbm4b:s0+s1], s6, $0x38;
	[tilespmem:$0xB300] =	vst v63  }
0x26: {  	s7 =	simm.s32 $0x6400;
	s13 =	rddreg [dreg:$0x8]  }
0x27: {  	[tilespmem:s7], [sflag:$0x1] =	stream.linear.gather [hbm4b:s9+s1], s8, $0x38;
	[tilespmem:$0xB300] =	vst v63  }
0x28: {  	s14 =	rddreg [dreg:$0x9];
	s7 =	simm.s32 $0x9600  }
0x29: {  	[tilespmem:s7], [sflag:$0x1] =	stream.linear.gather [hbm4b:s13+s1], s3, $0x38;
	[tilespmem:$0xB300] =	vst v63  }
0x2a: {  	s16 =	rddreg [dreg:$0xa]  }
0x2b: {  	[tilespmem:s6], [sflag:$0x2] =	stream.linear.gather [hbm4b:s14+s1], s12, $0x38;
	[tilespmem:$0xB300] =	vst v63  }
0x2c: {  	s9 =	rddreg [dreg:$0xb]  }
0x2d: {  	[tilespmem:s16], [sflag:$0x2] =	stream.linear.gather [hbm4b:s9+s1], s15, $0x38;
	[tilespmem:$0xB300] =	vst v63  }
0x2e: {  	s9 =	rddreg [dreg:$0xc]  }
0x2f: {  	[tilespmem:s9], [sflag:$0x2] =	stream.linear.gather [hbm4b:s17+s1], s21, $0x38;
	[tilespmem:$0xB300] =	vst v63  }
0x30: {  	[tilespmem:$0xA280] =	vst v0  }
0x31: {  	[tilespmem:$0xA290] =	vst v0  }
0x32: {  	[tilespmem:$0xA2A0] =	vst v0  }
0x33: {  	[tilespmem:$0xA2B0] =	vst v0  }
0x34: {  	[tilespmem:$0xA2C0] =	vst v0  }
0x35: {  	[tilespmem:$0xA2D0] =	vst v0  }
0x36: {  	[tilespmem:$0xA2E0] =	vst v0  }
0x37: {  	[tilespmem:$0xA2F0] =	vst v0  }
0x38: {  	[tilespmem:$0xA300] =	vst v0  }
0x39: {  	[tilespmem:$0xA310] =	vst v0  }
0x3a: {  	[tilespmem:$0xA320] =	vst v0  }
0x3b: {  	[tilespmem:$0xA330] =	vst v0  }
0x3c: {  	[tilespmem:$0xA340] =	vst v0  }
0x3d: {  	[tilespmem:$0xA350] =	vst v0  }
0x3e: {  	[tilespmem:$0xA360] =	vst v0  }
0x3f: {  	[tilespmem:$0xA370] =	vst v0  }
0x40: {  	[tilespmem:$0xA380] =	vst v0  }
0x41: {  	[tilespmem:$0xA390] =	vst v0  }
0x42: {  	[tilespmem:$0xA3A0] =	vst v0  }
0x43: {  	[tilespmem:$0xA3B0] =	vst v0  }
0x44: {  	[tilespmem:$0xA3C0] =	vst v0  }
0x45: {  	[tilespmem:$0xA3D0] =	vst v0  }
0x46: {  	[tilespmem:$0xA3E0] =	vst v0  }
0x47: {  	[tilespmem:$0xA3F0] =	vst v0  }
0x48: {  	[tilespmem:$0xA400] =	vst v0  }
0x49: {  	[tilespmem:$0xA410] =	vst v0  }
0x4a: {  	[tilespmem:$0xA420] =	vst v0  }
0x4b: {  	[tilespmem:$0xA430] =	vst v0  }
0x4c: {  	[tilespmem:$0xA440] =	vst v0  }
0x4d: {  	[tilespmem:$0xA450] =	vst v0  }
0x4e: {  	[tilespmem:$0xA460] =	vst v0  }
0x4f: {  	[tilespmem:$0xA470] =	vst v0  }
0x50: {  	[tilespmem:$0xA480] =	vst v0  }
0x51: {  	[tilespmem:$0xA490] =	vst v0  }
0x52: {  	[tilespmem:$0xA4A0] =	vst v0  }
0x53: {  	[tilespmem:$0xA4B0] =	vst v0  }
0x54: {  	[tilespmem:$0xA4C0] =	vst v0  }
0x55: {  	[tilespmem:$0xA4D0] =	vst v0  }
0x56: {  	[tilespmem:$0xA4E0] =	vst v0  }
0x57: {  	[tilespmem:$0xA4F0] =	vst v0  }
0x58: {  	[tilespmem:$0xA500] =	vst v0  }
0x59: {  	[tilespmem:$0xA510] =	vst v0  }
0x5a: {  	[tilespmem:$0xA520] =	vst v0  }
0x5b: {  	[tilespmem:$0xA530] =	vst v0  }
0x5c: {  	[tilespmem:$0xA540] =	vst v0  }
0x5d: {  	[tilespmem:$0xA550] =	vst v0  }
0x5e: {  	[tilespmem:$0xA560] =	vst v0  }
0x5f: {  	[tilespmem:$0xA570] =	vst v0  }
0x60: {  	[tilespmem:$0xA580] =	vst v0  }
0x61: {  	[tilespmem:$0xA590] =	vst v0  }
0x62: {  	[tilespmem:$0xA5A0] =	vst v0  }
0x63: {  	[tilespmem:$0xA5B0] =	vst v0  }
0x64: {  	[tilespmem:$0xA5C0] =	vst v0  }
0x65: {  	[tilespmem:$0xA5D0] =	vst v0  }
0x66: {  	[tilespmem:$0xA5E0] =	vst v0  }
0x67: {  	[tilespmem:$0xA5F0] =	vst v0  }
0x68: {  	[tilespmem:$0xA600] =	vst v0  }
0x69: {  	[tilespmem:$0xA610] =	vst v0  }
0x6a: {  	[tilespmem:$0xA620] =	vst v0  }
0x6b: {  	[tilespmem:$0xA630] =	vst v0  }
0x6c: {  	[tilespmem:$0xA640] =	vst v0  }
0x6d: {  	[tilespmem:$0xA650] =	vst v0  }
0x6e: {  	[tilespmem:$0xA660] =	vst v0  }
0x6f: {  	[tilespmem:$0xA670] =	vst v0  }
0x70: {  	_ =	swait.ge [sflag:s2], s6  }
0x71: {  	[sflag:s2] =	ssyncset.done $0x0  }
0x72: {  	[sflag:s2] =	ssyncadd.s32 s23  }
0x73: {  	_ =	swait.ge [sflag:s2], s8  }
0x74: {  	[sflag:s2] =	ssyncset.done $0x0  }
0x75: {  	[sflag:s2] =	ssyncadd.s32 s26  }
0x76: {  	_ =	swait.ge [sflag:s2], s3  }
0x77: {  	s13 =	sand.u32 $0x70, s1;
	s14 =	simm.s32 $0x0;
	[sflag:s2] =	ssyncset.done $0x0  }
0x78: {  	s9 =	sor.u32 s13, s14;
	[sflag:s2] =	ssyncadd.s32 s4  }
0x79: {  	v6 =	vld [tilespmem:s9+$0x200]  }
0x7a: {  	v4 =	vld [tilespmem:s9+$0x300]  }
0x7b: {  	v5 =	vld [tilespmem:s9+$0x280]  }
0x7c: {  	v7 =	vld [tilespmem:s9+$0x180];
	_ =	sdelay $0x2  }
0x7d: {  	v2 =	vld [tilespmem:s7+$0x0]  }
0x7e: {  	vm0 =	vge.f32 v6, v5;
	vm1 =	vge.f32 v6, v4  }
0x7f: {  	p1 =	sne.s32 s30, $0x10;
	vm2 =	vgt.f32 v6, v7;
	vm0 =	vmand vm0, vm1  }
.Ltmp2:
0x80: {  	s16 =	simm.s32 $0x0;
	vm0 =	vmand vm0, vm2;
	(pc) =	sbr.rel @!p1 .LBB2_3-.Ltmp2, $4  }
0x81: {  	s0 =	sor.u32 s13, s16  }
0x82: {  	v5 =	vadd.s32 $0x100, v2;
	v6 =	vld [tilespmem:s0+$0x6400]  }
0x83: {  	v4 =	vld [tilespmem:s0+$0x6480];
	v8 =	vadd.s32 $0x200, v2  }
0x84: {  	v3 =	vld [tilespmem:s0+$0x6500];
	s9 =	simm.s32 $0x10;
	v7 =	vadd.s32 $0x300, v2  }
.LBB2_2:
0x85: {  	_ = 	snop  }
0x86: {  	s0 =	sshrl.u32 s9, $0x7;
	[tilespmem:v2+s22+$0x0] =	vst.idx.add.f32.msk vm0, v1  }
0x87: {  	s13 =	sshll.u32 s0, $0xC;
	[tilespmem:v5+s22+$0x0] =	vst.idx.add.f32.msk vm0, v6  }
0x88: {  	s14 =	sand.u32 $0x70, s9;
	s13 =	sshra.s32 s13, $0x2;
	[tilespmem:v8+s22+$0x0] =	vst.idx.add.f32.msk vm0, v4  }
0x89: {  	s13 =	sor.u32 s14, s13;
	[tilespmem:v7+s22+$0x0] =	vst.idx.add.f32.msk vm0, v3  }
0x8a: {  	s7 =	sadd.s32 $0x10, s7;
	v7 =	vld [tilespmem:s13+$0x200]  }
0x8b: {  	v2 =	vld [tilespmem:s7+$0x0]  }
0x8c: {  	s9 =	sadd.s32 $0x10, s9;
	s0 =	sshll.u32 s0, $0xB;
	v8 =	vld [tilespmem:s13+$0x300]  }
0x8d: {  	p1 =	sne.s32 s30, s9;
	s0 =	sshra.s32 s0, $0x2;
	v9 =	vld [tilespmem:s13+$0x280]  }
0x8e: {  	s0 =	sor.u32 s14, s0;
	v10 =	vld [tilespmem:s13+$0x180]  }
0x8f: {  	v3 =	vld [tilespmem:s0+$0x6500]  }
0x90: {  	v4 =	vld [tilespmem:s0+$0x6480];
	v5 =	vadd.s32 $0x100, v2  }
0x91: {  	v6 =	vld [tilespmem:s0+$0x6400]  }
0x92: {  	vm1 =	vge.f32 v7, v8;
	vm0 =	vge.f32 v7, v9  }
0x93: {  	vm2 =	vgt.f32 v7, v10;
	vm0 =	vmand vm0, vm1  }
.Ltmp3:
0x94: {  	vm0 =	vmand vm0, vm2;
	(pc) =	sbr.rel @p1 .LBB2_2-.Ltmp3, $3  }
0x95: {  	_ =	sdelay $0x1  }
0x96: {  	v8 =	vadd.s32 $0x200, v2  }
0x97: {  	v7 =	vadd.s32 $0x300, v2  }
.LBB2_3:
0x98: {  	_ =	sdelay $0x4  }
0x99: {  	[tilespmem:v2+s22+$0x0] =	vst.idx.add.f32.msk vm0, v1  }
0x9a: {  	[tilespmem:v5+s22+$0x0] =	vst.idx.add.f32.msk vm0, v6  }
0x9b: {  	[tilespmem:v8+s22+$0x0] =	vst.idx.add.f32.msk vm0, v4  }
0x9c: {  	[tilespmem:v7+s22+$0x0] =	vst.idx.add.f32.msk vm0, v3  }
0x9d: {  	_ =	swait.ge [sflag:s24], s12  }
0x9e: {  	[sflag:s24] =	ssyncset.done $0x0  }
0x9f: {  	[sflag:s24] =	ssyncadd.s32 s28  }
0xa0: {  	_ =	swait.ge [sflag:s24], s15  }
0xa1: {  	[sflag:s24] =	ssyncset.done $0x0  }
0xa2: {  	s0 =	sshrl.u32 s30, $0x7;
	[sflag:s24] =	ssyncadd.s32 s29  }
0xa3: {  	s7 =	sshll.u32 s0, $0xC;
	_ =	swait.ge [sflag:s24], s21  }
0xa4: {  	s9 =	sand.u32 $0x70, s30;
	s7 =	sshra.s32 s7, $0x2;
	[sflag:s24] =	ssyncset.done $0x0  }
0xa5: {  	s7 =	sor.u32 s9, s7;
	[sflag:s24] =	ssyncadd.s32 s31  }
0xa6: {  	v6 =	vld [tilespmem:s7+$0x200]  }
0xa7: {  	v4 =	vld [tilespmem:s7+$0x300]  }
0xa8: {  	v5 =	vld [tilespmem:s7+$0x280]  }
0xa9: {  	v7 =	vld [tilespmem:s7+$0x180];
	_ =	sdelay $0x2  }
0xaa: {  	v2 =	vld [tilespmem:s10+$0x0]  }
0xab: {  	vm0 =	vge.f32 v6, v5;
	vm1 =	vge.f32 v6, v4  }
0xac: {  	s0 =	sshll.u32 s0, $0xB;
	s7 =	sadd.s32 $0x1, s19;
	vm2 =	vgt.f32 v6, v7;
	vm0 =	vmand vm0, vm1  }
0xad: {  	s0 =	sshra.s32 s0, $0x2;
	p1 =	slt.u32 s7, s20;
	vm0 =	vmand vm0, vm2  }
.Ltmp4:
0xae: {  	s0 =	sor.u32 s9, s0;
	(pc) =	sbr.rel @!p1 .LBB2_5-.Ltmp4, $4  }
0xaf: {  	v5 =	vadd.s32 $0x100, v2;
	v6 =	vld [tilespmem:s0+$0x6400]  }
0xb0: {  	v4 =	vld [tilespmem:s0+$0x6480];
	v8 =	vadd.s32 $0x200, v2  }
0xb1: {  	v3 =	vld [tilespmem:s0+$0x6500];
	v7 =	vadd.s32 $0x300, v2  }
0xb2: {  	s9 =	sadd.s32 $0x10, s30;
	s0 =	smov.u32 s10  }
.LBB2_4:
0xb3: {  	s13 =	sshrl.u32 s9, $0x7;
	[tilespmem:v2+s22+$0x0] =	vst.idx.add.f32.msk vm0, v1  }
0xb4: {  	s14 =	sshll.u32 s13, $0xC;
	[tilespmem:v5+s22+$0x0] =	vst.idx.add.f32.msk vm0, v6  }
0xb5: {  	s16 =	sand.u32 $0x70, s9;
	s14 =	sshra.s32 s14, $0x2;
	[tilespmem:v8+s22+$0x0] =	vst.idx.add.f32.msk vm0, v4  }
0xb6: {  	s14 =	sor.u32 s16, s14;
	[tilespmem:v7+s22+$0x0] =	vst.idx.add.f32.msk vm0, v3  }
0xb7: {  	s0 =	sadd.s32 $0x10, s0;
	v7 =	vld [tilespmem:s14+$0x200]  }
0xb8: {  	v2 =	vld [tilespmem:s0+$0x0]  }
0xb9: {  	s7 =	sadd.s32 $0x1, s7;
	s13 =	sshll.u32 s13, $0xB;
	v8 =	vld [tilespmem:s14+$0x300]  }
0xba: {  	p1 =	slt.u32 s7, s20;
	s13 =	sshra.s32 s13, $0x2;
	v9 =	vld [tilespmem:s14+$0x280]  }
0xbb: {  	s13 =	sor.u32 s16, s13;
	v10 =	vld [tilespmem:s14+$0x180]  }
0xbc: {  	v3 =	vld [tilespmem:s13+$0x6500]  }
0xbd: {  	v4 =	vld [tilespmem:s13+$0x6480];
	v5 =	vadd.s32 $0x100, v2  }
0xbe: {  	v6 =	vld [tilespmem:s13+$0x6400]  }
0xbf: {  	vm1 =	vge.f32 v7, v8;
	vm0 =	vge.f32 v7, v9  }
0xc0: {  	vm2 =	vgt.f32 v7, v10;
	vm0 =	vmand vm0, vm1  }
0xc1: {  	vm0 =	vmand vm0, vm2  }
.Ltmp5:
0xc2: {  	(pc) =	sbr.rel @p1 .LBB2_4-.Ltmp5, $4  }
0xc3: {  	_ = 	snop  }
0xc4: {  	v8 =	vadd.s32 $0x200, v2  }
0xc5: {  	v7 =	vadd.s32 $0x300, v2  }
0xc6: {  	s9 =	sadd.s32 $0x10, s9  }
.LBB2_5:
0xc7: {  	_ =	sdelay $0x4  }
0xc8: {  	[tilespmem:v2+s22+$0x0] =	vst.idx.add.f32.msk vm0, v1  }
0xc9: {  	[tilespmem:v5+s22+$0x0] =	vst.idx.add.f32.msk vm0, v6  }
0xca: {  	[tilespmem:v8+s22+$0x0] =	vst.idx.add.f32.msk vm0, v4  }
0xcb: {  	s0 =	simm.s32 $0x80;
	s7 =	simm.s32 $0x400;
	[tilespmem:v7+s22+$0x0] =	vst.idx.add.f32.msk vm0, v3  }
0xcc: {  	[spmem:s18] =	stream.strided.scatter [tilespmem:s22], [sflag:$0x3], $0x400, s7, s0, $0x38;
	[tilespmem:$0xB300] =	vst v63  }
.Ltmp6:
0xcd: {  	_ =	swait.ge [sflag:s11], $0x400;
	(pc) =	sbr.rel @p0 .LBB2_7-.Ltmp6, $3  }
0xce: {  	[sflag:s11] =	ssyncset.done $0x0  }
0xcf: {  	[sflag:s11] =	ssyncadd.s32 $0xFFFFFC00  }
0xd0: {  	[bflag:$0x0] =	sbarrier.arrive $0xFFFF;
	_ =	sdelay $0x1  }
0xd1: {  	s0 =	rddreg [dreg:$0xd]  }
0xd2: {  	s7 =	simm.s32 $0x400;
	s9 =	simm.s32 $0x2000;
	s13 =	simm.s32 $0xA680  }
0xd3: {  	[tilespmem:s13], [sflag:$0x3] =	stream.strided.gather [spmem:s0], $0x800, s9, s7, $0x38;
	[tilespmem:$0xB300] =	vst v63  }
0xd4: {  	_ =	swait.ge [sflag:s11], $0x800  }
0xd5: {  	[sflag:s11] =	ssyncset.done $0x0  }
0xd6: {  	[sflag:s11] =	ssyncadd.s32 $0xFFFFF800  }
0xd7: {  	v2 =	vld [tilespmem:$0xA680]  }
0xd8: {  	v3 =	vld [tilespmem:$0xA700]  }
0xd9: {  	v4 =	vld [tilespmem:$0xA780]  }
0xda: {  	v5 =	vld [tilespmem:$0xA800]  }
0xdb: {  	v11 =	vld [tilespmem:$0xA880]  }
0xdc: {  	v12 =	vld [tilespmem:$0xA900]  }
0xdd: {  	v13 =	vld [tilespmem:$0xA980]  }
0xde: {  	v15 =	vld [tilespmem:$0xAA00]  }
0xdf: {  	v18 =	vld [tilespmem:$0xAA80]  }
0xe0: {  	v20 =	vld [tilespmem:$0xAB00]  }
0xe1: {  	v33 =	vld [tilespmem:$0xAB80]  }
0xe2: {  	v6 =	vld [tilespmem:$0xAC00]  }
0xe3: {  	v43 =	vld [tilespmem:$0xAC80]  }
0xe4: {  	v44 =	vld [tilespmem:$0xAD00]  }
0xe5: {  	v45 =	vld [tilespmem:$0xAD80]  }
0xe6: {  	v46 =	vld [tilespmem:$0xAE00]  }
0xe7: {  	v7 =	vld [tilespmem:$0xA690]  }
0xe8: {  	v9 =	vld [tilespmem:$0xA710]  }
0xe9: {  	v21 =	vld [tilespmem:$0xA790]  }
0xea: {  	v22 =	vld [tilespmem:$0xA810]  }
0xeb: {  	v23 =	vld [tilespmem:$0xA890]  }
0xec: {  	v24 =	vld [tilespmem:$0xA910]  }
0xed: {  	v25 =	vld [tilespmem:$0xA990]  }
0xee: {  	v26 =	vld [tilespmem:$0xAA10]  }
0xef: {  	v27 =	vld [tilespmem:$0xAA90]  }
0xf0: {  	v28 =	vld [tilespmem:$0xAB10]  }
0xf1: {  	v29 =	vld [tilespmem:$0xAB90]  }
0xf2: {  	v30 =	vld [tilespmem:$0xAC10]  }
0xf3: {  	v32 =	vld [tilespmem:$0xAC90]  }
0xf4: {  	v47 =	vld [tilespmem:$0xAD10]  }
0xf5: {  	v48 =	vld [tilespmem:$0xAD90]  }
0xf6: {  	v49 =	vld [tilespmem:$0xAE10]  }
0xf7: {  	v10 =	vld [tilespmem:$0xA6A0]  }
0xf8: {  	v35 =	vld [tilespmem:$0xA720]  }
0xf9: {  	v36 =	vld [tilespmem:$0xA7A0]  }
0xfa: {  	v37 =	vld [tilespmem:$0xA820]  }
0xfb: {  	v38 =	vld [tilespmem:$0xA8A0]  }
0xfc: {  	v39 =	vld [tilespmem:$0xA920]  }
0xfd: {  	v40 =	vld [tilespmem:$0xA9A0]  }
0xfe: {  	v41 =	vld [tilespmem:$0xAA20]  }
0xff: {  	v42 =	vld [tilespmem:$0xAAA0]  }
0x100: {  	v50 =	vld [tilespmem:$0xA6B0]  }
0x101: {  	v51 =	vld [tilespmem:$0xA730]  }
0x102: {  	v52 =	vld [tilespmem:$0xA7B0]  }
0x103: {  	v53 =	vld [tilespmem:$0xA830]  }
0x104: {  	v54 =	vld [tilespmem:$0xA8B0]  }
0x105: {  	v55 =	vld [tilespmem:$0xA930]  }
0x106: {  	v56 =	vld [tilespmem:$0xA9B0]  }
0x107: {  	v57 =	vld [tilespmem:$0xAA30]  }
0x108: {  	v58 =	vld [tilespmem:$0xAAB0]  }
0x109: {  	v59 =	vld [tilespmem:$0xAB30]  }
0x10a: {  	v60 =	vld [tilespmem:$0xABB0]  }
0x10b: {  	v61 =	vld [tilespmem:$0xAC30]  }
0x10c: {  	v62 =	vld [tilespmem:$0xACB0]  }
0x10d: {  	v63 =	vld [tilespmem:$0xAD30]  }
0x10e: {  	v16 =	vld [tilespmem:$0xAE30]  }
0x10f: {  	v14 =	vld [tilespmem:$0xA6C0]  }
0x110: {  	v8 =	vld [tilespmem:$0xA740]  }
0x111: {  	v17 =	vld [tilespmem:$0xA7C0]  }
0x112: {  	v19 =	vld [tilespmem:$0xA840]  }
0x113: {  	v31 =	vld [tilespmem:$0xA8C0]  }
0x114: {  	v34 =	vld [tilespmem:$0xA940]  }
0x115: {  	[tilespmem:$0x1FF70] =	vst v43;
	v43 =	vld [tilespmem:$0xAB20]  }
0x116: {  	[tilespmem:$0x1FF80] =	vst v44;
	v44 =	vld [tilespmem:$0xABA0]  }
0x117: {  	[tilespmem:$0x1FFA0] =	vst v45;
	v45 =	vld [tilespmem:$0xAC20]  }
0x118: {  	[tilespmem:$0x1FFC0] =	vst v46;
	v46 =	vld [tilespmem:$0xACA0]  }
0x119: {  	[tilespmem:$0x1FF90] =	vst v47;
	v47 =	vld [tilespmem:$0xAD20]  }
0x11a: {  	[tilespmem:$0x1FFB0] =	vst v48;
	v48 =	vld [tilespmem:$0xADA0]  }
0x11b: {  	[tilespmem:$0x1FFD0] =	vst v49;
	v49 =	vld [tilespmem:$0xAE20]  }
0x11c: {  	[tilespmem:$0x1FF60] =	vst v6;
	v6 =	vld [tilespmem:$0xADB0]  }
0x11d: {  	[tilespmem:$0x1FFE0] =	vst v34;
	v34 =	vld [tilespmem:$0xA9C0]  }
0x11e: {  	v2 =	vadd.f32 v3, v2;
	v3 =	vld [tilespmem:$0xAA40]  }
0x11f: {  	v7 =	vadd.f32 v9, v7;
	v9 =	vld [tilespmem:$0xAAC0];
	v50 =	vadd.f32 v51, v50  }
0x120: {  	v2 =	vadd.f32 v4, v2;
	v4 =	vadd.f32 v35, v10;
	v10 =	vld [tilespmem:$0xAB40]  }
0x121: {  	v35 =	vadd.f32 v21, v7;
	v21 =	vld [tilespmem:$0xABC0]  }
0x122: {  	v7 =	vld [tilespmem:$0xAC40];
	v50 =	vadd.f32 v52, v50  }
0x123: {  	v2 =	vadd.f32 v5, v2;
	v5 =	vld [tilespmem:$0xACC0]  }
0x124: {  	v51 =	vadd.f32 v53, v50;
	v50 =	vld [tilespmem:$0xA770]  }
0x125: {  	v4 =	vadd.f32 v36, v4;
	v22 =	vadd.f32 v22, v35;
	v35 =	vld [tilespmem:$0xAA60]  }
0x126: {  	v8 =	vadd.f32 v8, v14;
	[tilespmem:$0x1FFF0] =	vst v34;
	v34 =	vld [tilespmem:$0xA760]  }
0x127: {  	v36 =	vadd.f32 v37, v4;
	v4 =	vld [tilespmem:$0xAD40]  }
0x128: {  	v8 =	vadd.f32 v17, v8;
	v2 =	vadd.f32 v11, v2;
	v11 =	vld [tilespmem:$0xADC0]  }
0x129: {  	v22 =	vadd.f32 v23, v22;
	v23 =	vadd.f32 v54, v51;
	v54 =	vld [tilespmem:$0xA750]  }
0x12a: {  	v8 =	vadd.f32 v19, v8;
	v37 =	vld [tilespmem:$0xAD50]  }
0x12b: {  	v51 =	vld [tilespmem:$0x1FFD0]  }
0x12c: {  	v8 =	vadd.f32 v31, v8;
	v31 =	vld [tilespmem:$0x1FFE0]  }
0x12d: {  	v12 =	vadd.f32 v12, v2;
	v2 =	vld [tilespmem:$0xAE40]  }
0x12e: {  	v22 =	vadd.f32 v24, v22;
	v24 =	vld [tilespmem:$0xA6D0]  }
0x12f: {  	v52 =	vadd.f32 v38, v36;
	v36 =	vld [tilespmem:$0xAC50]  }
0x130: {  	v23 =	vadd.f32 v55, v23;
	v55 =	vld [tilespmem:$0xA860]  }
0x131: {  	v22 =	vadd.f32 v25, v22;
	v25 =	vld [tilespmem:$0xA7D0]  }
0x132: {  	v12 =	vadd.f32 v13, v12;
	v53 =	vadd.f32 v39, v52;
	v52 =	vld [tilespmem:$0xA7E0]  }
0x133: {  	v39 =	vld [tilespmem:$0x1FFF0]  }
0x134: {  	v23 =	vadd.f32 v56, v23;
	v12 =	vadd.f32 v15, v12;
	v15 =	vld [tilespmem:$0xA850]  }
0x135: {  	v22 =	vadd.f32 v26, v22;
	v26 =	vld [tilespmem:$0xA8D0]  }
0x136: {  	v23 =	vadd.f32 v57, v23;
	v57 =	vld [tilespmem:$0x1FF60]  }
0x137: {  	v13 =	vadd.f32 v40, v53;
	v53 =	vld [tilespmem:$0xA7F0]  }
0x138: {  	v8 =	vadd.f32 v31, v8;
	v40 =	vld [tilespmem:$0xAA70];
	v54 =	vadd.f32 v54, v24  }
0x139: {  	v12 =	vadd.f32 v18, v12;
	v13 =	vadd.f32 v41, v13;
	v18 =	vld [tilespmem:$0xA950]  }
0x13a: {  	v22 =	vadd.f32 v27, v22;
	v27 =	vld [tilespmem:$0xA9D0];
	v23 =	vadd.f32 v58, v23  }
0x13b: {  	v58 =	vld [tilespmem:$0x1FF70];
	v8 =	vadd.f32 v39, v8;
	v12 =	vadd.f32 v20, v12  }
0x13c: {  	v41 =	vld [tilespmem:$0xAAE0];
	v13 =	vadd.f32 v42, v13;
	v22 =	vadd.f32 v28, v22  }
0x13d: {  	v20 =	vld [tilespmem:$0xAA50];
	v23 =	vadd.f32 v59, v23;
	v3 =	vadd.f32 v3, v8  }
0x13e: {  	v28 =	vld [tilespmem:$0xAAD0];
	v12 =	vadd.f32 v33, v12;
	v13 =	vadd.f32 v43, v13  }
0x13f: {  	v59 =	vld [tilespmem:$0x1FF80];
	v22 =	vadd.f32 v29, v22;
	v23 =	vadd.f32 v60, v23  }
0x140: {  	v33 =	vld [tilespmem:$0xAB50];
	v3 =	vadd.f32 v9, v3;
	v13 =	vadd.f32 v44, v13  }
0x141: {  	v60 =	vld [tilespmem:$0x1FF90];
	v12 =	vadd.f32 v57, v12;
	v22 =	vadd.f32 v30, v22  }
0x142: {  	v23 =	vadd.f32 v61, v23;
	v61 =	vld [tilespmem:$0xA6E0];
	v13 =	vadd.f32 v45, v13  }
0x143: {  	v29 =	vld [tilespmem:$0xABD0];
	v3 =	vadd.f32 v10, v3;
	v12 =	vadd.f32 v58, v12  }
0x144: {  	v23 =	vadd.f32 v62, v23;
	v13 =	vadd.f32 v46, v13;
	v46 =	vld [tilespmem:$0xA6F0]  }
0x145: {  	v57 =	vld [tilespmem:$0xA870];
	v22 =	vadd.f32 v32, v22;
	v3 =	vadd.f32 v21, v3  }
0x146: {  	v62 =	vld [tilespmem:$0x1FFA0];
	v12 =	vadd.f32 v59, v12;
	v23 =	vadd.f32 v63, v23  }
0x147: {  	v45 =	vld [tilespmem:$0x1FFB0];
	v22 =	vadd.f32 v60, v22;
	v56 =	vadd.f32 v34, v61  }
0x148: {  	v59 =	vld [tilespmem:$0xA8E0];
	v3 =	vadd.f32 v7, v3;
	v6 =	vadd.f32 v6, v23  }
0x149: {  	v60 =	vld [tilespmem:$0xA8F0];
	v17 =	vadd.f32 v52, v56;
	v58 =	vadd.f32 v50, v46  }
0x14a: {  	v61 =	vld [tilespmem:$0xA960];
	v6 =	vadd.f32 v16, v6;
	v16 =	vadd.f32 v25, v54  }
0x14b: {  	v63 =	vld [tilespmem:$0xA9E0];
	v17 =	vadd.f32 v55, v17;
	v14 =	vadd.f32 v53, v58  }
0x14c: {  	v12 =	vadd.f32 v62, v12;
	v62 =	vld [tilespmem:$0xA970];
	v15 =	vadd.f32 v15, v16  }
0x14d: {  	v43 =	vld [tilespmem:$0xAAF0];
	v17 =	vadd.f32 v59, v17;
	v14 =	vadd.f32 v57, v14  }
0x14e: {  	v34 =	vld [tilespmem:$0xA9F0];
	v13 =	vadd.f32 v47, v13;
	v15 =	vadd.f32 v26, v15  }
0x14f: {  	v30 =	vld [tilespmem:$0xACD0];
	v16 =	vadd.f32 v61, v17;
	v14 =	vadd.f32 v60, v14  }
0x150: {  	v44 =	vld [tilespmem:$0xAB60];
	v22 =	vadd.f32 v45, v22;
	v15 =	vadd.f32 v18, v15  }
0x151: {  	v47 =	vld [tilespmem:$0x1FFC0];
	v42 =	vadd.f32 v63, v16;
	v14 =	vadd.f32 v62, v14  }
0x152: {  	v32 =	vld [tilespmem:$0xADD0];
	v13 =	vadd.f32 v48, v13;
	v15 =	vadd.f32 v27, v15  }
0x153: {  	v45 =	vld [tilespmem:$0xAB70];
	v8 =	vadd.f32 v35, v42;
	v14 =	vadd.f32 v34, v14  }
0x154: {  	v22 =	vadd.f32 v51, v22;
	v46 =	vld [tilespmem:$0xABE0];
	v15 =	vadd.f32 v20, v15  }
0x155: {  	v48 =	vld [tilespmem:$0xAC60];
	v8 =	vadd.f32 v41, v8;
	v14 =	vadd.f32 v40, v14  }
0x156: {  	v12 =	vadd.f32 v47, v12;
	v47 =	vld [tilespmem:$0xABF0];
	v15 =	vadd.f32 v28, v15  }
0x157: {  	v50 =	vld [tilespmem:$0xACE0];
	v8 =	vadd.f32 v44, v8;
	v14 =	vadd.f32 v43, v14  }
0x158: {  	v13 =	vadd.f32 v49, v13;
	v49 =	vld [tilespmem:$0xAC70];
	v15 =	vadd.f32 v33, v15  }
0x159: {  	v52 =	vld [tilespmem:$0xACF0];
	v51 =	vadd.f32 v46, v8;
	v9 =	vadd.f32 v45, v14  }
0x15a: {  	v3 =	vadd.f32 v5, v3;
	v53 =	vld [tilespmem:$0xAD60];
	v15 =	vadd.f32 v29, v15  }
0x15b: {  	v56 =	vld [tilespmem:$0xADE0];
	v54 =	vadd.f32 v48, v51;
	v9 =	vadd.f32 v47, v9  }
0x15c: {  	v55 =	vld [tilespmem:$0xAD70];
	v3 =	vadd.f32 v4, v3;
	v15 =	vadd.f32 v36, v15  }
0x15d: {  	v58 =	vld [tilespmem:$0xADF0];
	v57 =	vadd.f32 v50, v54;
	v9 =	vadd.f32 v49, v9  }
0x15e: {  	v3 =	vadd.f32 v11, v3;
	v60 =	vld [tilespmem:$0xAE60];
	v15 =	vadd.f32 v30, v15  }
0x15f: {  	v38 =	vld [tilespmem:$0xAE50];
	v4 =	vadd.f32 v53, v57;
	v8 =	vadd.f32 v52, v9  }
0x160: {  	[tilespmem:$0xAEB0] =	vst v6;
	v61 =	vld [tilespmem:$0xAE70];
	v2 =	vadd.f32 v2, v3;
	v59 =	vadd.f32 v37, v15  }
0x161: {  	[tilespmem:$0xAE90] =	vst v22;
	v3 =	vadd.f32 v56, v4;
	v7 =	vadd.f32 v55, v8  }
0x162: {  	[tilespmem:$0xAEA0] =	vst v13;
	v62 =	vadd.f32 v32, v59  }
0x163: {  	[tilespmem:$0xAEC0] =	vst v2;
	v2 =	vadd.f32 v60, v3;
	v5 =	vadd.f32 v58, v7  }
0x164: {  	[tilespmem:$0xAE80] =	vst v12;
	v63 =	vadd.f32 v38, v62  }
0x165: {  	[tilespmem:$0xAEE0] =	vst v2;
	v3 =	vadd.f32 v61, v5  }
0x166: {  	[tilespmem:$0xAED0] =	vst v63  }
.Ltmp7:
0x167: {  	s16 =	simm.s32 $0xAE80;
	s14 =	rddreg [dreg:$0xe];
	[tilespmem:$0xAEF0] =	vst v3;
	(pc) =	sbr.rel .LBB2_7-.Ltmp7, $4  }
0x168: {  	[hbm4b:s14+s1] =	stream.linear.scatter [tilespmem:s16], [sflag:$0x3], $0x80, $0x38;
	[tilespmem:$0xB300] =	vst v63  }
0x169: {  	_ =	swait.ge [sflag:s11], $0x80  }
0x16a: {  	[sflag:s11] =	ssyncset.done $0x0  }
0x16b: {  	[sflag:s11] =	ssyncadd.s32 $0xFFFFFF80  }
.LBB2_8:
0x16c: {  	_ =	sfence.sel $0x180000  }
0x16d: {  	[bflag:$0x0] =	sbarrier.arrive $0xFFFF  }
0x16e: {  	_ =	strace $0x90000047  }
0x16f: {  	s0 =	stileid.u32;
	[bflag:$0x2] =	sbarrier.arrive $0xFFFF  }
0x170: {  	p0 =	sne.s32 s0, $0x0;
	s0 =	rddreg [dreg:$0x5]  }
0x171: {  	s0 =	sadd.s32 @!p0 $0x100000, s0  }
0x172: {  	[sflag:s0] =	ssyncadd.tile.s32 @!p0 $0x1;
	_ =	shalt  }
.Lfunc_end2:
_tile_overlayer_lowered:
.L_overlay_start_2:
0x173: {  	(tag) =	ssettag $0x2  }
0x174: {  	s0 =	rddreg [dreg:$0x0];
	s2 =	stileid.u32  }
0x175: {  	s1 =	rddreg [dreg:$0x1];
	p0 =	sne.s32 s2, $0x0  }
0x176: {  	s3 =	rddreg [dreg:$0x2];
	[bflag:$0x3] =	sbarrier.arrive $0xFFFF;
	s2 =	simm.s32 @!p0 $0x1C03  }
0x177: {  	[timem:s3], [sflag:s2] =	dma.local @!p0 [hbm:s0], s1  }
0x178: {  	s0 =	simm.s32 @!p0 $0x3  }
0x179: {  	_ =	swait.ge @!p0 [sflag:s0], s1  }
0x17a: {  	s1 =	ssub.s32 @!p0 $0x0, s1;
	[sflag:s0] =	ssyncset.done @!p0 $0x0  }
0x17b: {  	[sflag:s0] =	ssyncadd.s32 @!p0 s1  }
0x17c: {  	[bflag:$0x3] =	sbarrier.arrive $0xFFFF  }
0x17d: {  	_ =	shalt  }

</sc_bundles>
